<compile_context>
chip_gen: v7x
topology: tpu7x:2x2x1
jax: 0.10.2.dev20260603
libtpu: 0.0.44.dev20260713+nightly
codegen_flags: <defaults>
</compile_context>

<pallas_src>
import functools

import jax
import jax.numpy as jnp
from jax import lax
from jax.experimental import pallas as pl
from jax.experimental.pallas import tpu as pltpu
from jax.experimental.pallas import tpu_sc as plsc

N = 10000
E = 160000
D_IN = 256
D_HID = 256
D_OUT = 128
NC, NS = 2, 16
RPS = 632
NPAD = RPS * NS
BATCH = 128
PB = 40
NB1 = 80
NB2 = 40
BM = 1000


@functools.lru_cache(maxsize=None)
def _make_segsum(nb):
    mesh = plsc.VectorSubcoreMesh(core_axis_name="c", subcore_axis_name="s",
                                  num_cores=NC, num_subcores=NS)

    def body(table, srcp, dstp, zeros, out, src_v, dst_v, rows_a, rows_b,
             acc, sem_a, sem_b):
        c = lax.axis_index("c")
        s = lax.axis_index("s")
        sl = pl.ds(s * RPS, RPS)

        def phase(t, first):
            pltpu.sync_copy(srcp.at[c, s, pl.ds(t * PB, PB)], src_v)
            pltpu.sync_copy(dstp.at[c, s, pl.ds(t * PB, PB)], dst_v)
            pltpu.async_copy(table.at[src_v.at[0]], rows_a, sem_a)
            pltpu.async_copy(table.at[src_v.at[1]], rows_b, sem_b)
            if first:
                pltpu.sync_copy(zeros.at[sl], acc.at[sl])
                plsc.subcore_barrier()

            def step(i, carry):
                ja = 2 * i
                jb = ja + 1
                pltpu.make_async_copy(table.at[src_v.at[ja]], rows_a,
                                      sem_a).wait()
                pltpu.sync_copy(rows_a, acc.at[dst_v.at[ja]], add=True)

                @pl.when(ja + 2 < PB)
                def _():
                    pltpu.async_copy(table.at[src_v.at[ja + 2]], rows_a,
                                     sem_a)

                pltpu.make_async_copy(table.at[src_v.at[jb]], rows_b,
                                      sem_b).wait()
                pltpu.sync_copy(rows_b, acc.at[dst_v.at[jb]], add=True)

                @pl.when(jb + 2 < PB)
                def _():
                    pltpu.async_copy(table.at[src_v.at[jb + 2]], rows_b,
                                     sem_b)

                return carry

            lax.fori_loop(0, PB // 2, step, 0)

        for t in range(nb // PB):
            phase(t, t == 0)
        plsc.subcore_barrier()
        pltpu.sync_copy(acc.at[sl], out.at[c, sl])

    return pl.kernel(
        body,
        out_type=[jax.ShapeDtypeStruct((NC, NPAD, 128), jnp.float32)],
        mesh=mesh,
        scratch_types=[
            pltpu.VMEM((PB, BATCH), jnp.int32),
            pltpu.VMEM((PB, BATCH), jnp.int32),
            pltpu.VMEM((BATCH, 128), jnp.float32),
            pltpu.VMEM((BATCH, 128), jnp.float32),
            pltpu.VMEM_SHARED((NPAD, 128), jnp.float32),
            pltpu.SemaphoreType.DMA,
            pltpu.SemaphoreType.DMA,
        ])


@functools.lru_cache(maxsize=None)
def _make_deg():
    mesh = plsc.VectorSubcoreMesh(core_axis_name="c", subcore_axis_name="s",
                                  num_cores=NC, num_subcores=NS)

    def body(dstp, zeros, ones, degp, dst_v, ones_v, dacc):
        c = lax.axis_index("c")
        s = lax.axis_index("s")
        sl = pl.ds(s * RPS, RPS)
        pltpu.sync_copy(dstp.at[c, s], dst_v)
        pltpu.sync_copy(ones, ones_v)
        pltpu.sync_copy(zeros.at[sl], dacc.at[sl])
        plsc.subcore_barrier()

        def step(j, carry):
            pltpu.sync_copy(ones_v, dacc.at[dst_v.at[j]], add=True)
            return carry

        lax.fori_loop(0, NB2, step, 0)
        plsc.subcore_barrier()
        pltpu.sync_copy(dacc.at[sl], degp.at[c, sl])

    return pl.kernel(
        body,
        out_type=[jax.ShapeDtypeStruct((NC, NPAD, 128), jnp.float32)],
        mesh=mesh,
        scratch_types=[
            pltpu.VMEM((NB2, BATCH), jnp.int32),
            pltpu.VMEM((BATCH, 128), jnp.float32),
            pltpu.VMEM_SHARED((NPAD, 128), jnp.float32),
        ])


def _tc1(x, wcat, b1):
    def body(x_ref, w_ref, b_ref, u_ref, v_ref):
        y = jnp.dot(x_ref[...], w_ref[...],
                    preferred_element_type=jnp.float32)
        u_ref[0] = y[:, :128]
        u_ref[1] = y[:, 128:256]
        v_ref[...] = y[:, 256:] + b_ref[...]

    return pl.pallas_call(
        body,
        grid=(N // BM,),
        in_specs=[
            pl.BlockSpec((BM, D_IN), lambda i: (i, 0)),
            pl.BlockSpec((D_IN, 2 * D_HID), lambda i: (0, 0)),
            pl.BlockSpec((1, D_HID), lambda i: (0, 0)),
        ],
        out_specs=[
            pl.BlockSpec((2, BM, 128), lambda i: (0, i, 0)),
            pl.BlockSpec((BM, D_HID), lambda i: (i, 0)),
        ],
        out_shape=[
            jax.ShapeDtypeStruct((2, N, 128), jnp.float32),
            jax.ShapeDtypeStruct((N, D_HID), jnp.float32),
        ],
    )(x, wcat, b1)


def _tc2(s1, degp, v1, wcat, b2):
    def body(s1_ref, deg_ref, v1_ref, w_ref, b_ref, u2_ref, v2_ref):
        deg = jnp.maximum(deg_ref[0, :, :1] + deg_ref[1, :, :1], 1.0)
        agg = jnp.concatenate([s1_ref[0], s1_ref[1]], axis=1) / deg
        h = jnp.maximum(agg + v1_ref[...], 0.0)
        y = jnp.dot(h, w_ref[...], preferred_element_type=jnp.float32)
        u2_ref[...] = y[:, :D_OUT]
        v2_ref[...] = y[:, D_OUT:] + b_ref[...]

    return pl.pallas_call(
        body,
        grid=(N // BM,),
        in_specs=[
            pl.BlockSpec((2, BM, 128), lambda i: (0, i, 0)),
            pl.BlockSpec((2, BM, 128), lambda i: (0, i, 0)),
            pl.BlockSpec((BM, D_HID), lambda i: (i, 0)),
            pl.BlockSpec((D_HID, 2 * D_OUT), lambda i: (0, 0)),
            pl.BlockSpec((1, D_OUT), lambda i: (0, 0)),
        ],
        out_specs=[
            pl.BlockSpec((BM, D_OUT), lambda i: (i, 0)),
            pl.BlockSpec((BM, D_OUT), lambda i: (i, 0)),
        ],
        out_shape=[
            jax.ShapeDtypeStruct((N, D_OUT), jnp.float32),
            jax.ShapeDtypeStruct((N, D_OUT), jnp.float32),
        ],
    )(s1, degp, v1, wcat, b2)


def _tc3(s2, degp, v2):
    def body(s2_ref, deg_ref, v2_ref, out_ref):
        deg = jnp.maximum(deg_ref[0, :, :1] + deg_ref[1, :, :1], 1.0)
        z = (s2_ref[0] + s2_ref[1]) / deg + v2_ref[...]
        m = jnp.max(z, axis=1, keepdims=True)
        lse = jnp.log(jnp.sum(jnp.exp(z - m), axis=1, keepdims=True))
        out_ref[...] = z - m - lse

    return pl.pallas_call(
        body,
        grid=(N // BM,),
        in_specs=[
            pl.BlockSpec((2, BM, D_OUT), lambda i: (0, i, 0)),
            pl.BlockSpec((2, BM, 128), lambda i: (0, i, 0)),
            pl.BlockSpec((BM, D_OUT), lambda i: (i, 0)),
        ],
        out_specs=pl.BlockSpec((BM, D_OUT), lambda i: (i, 0)),
        out_shape=jax.ShapeDtypeStruct((N, D_OUT), jnp.float32),
    )(s2, degp, v2)


def kernel(x, edge_index, W1_l, W1_r, b1, W2_l, W2_r, b2):
    src = edge_index[0].astype(jnp.int32)
    dst = edge_index[1].astype(jnp.int32)

    pad1 = NS * NB1 * BATCH - E
    s1p = jnp.concatenate([src, jnp.zeros((pad1,), jnp.int32)])
    d1p = jnp.concatenate([dst, jnp.full((pad1,), N, jnp.int32)])
    srcp1 = jnp.stack([s1p, s1p + N]).reshape(NC, NS, NB1, BATCH)
    dstp1 = jnp.stack([d1p, d1p]).reshape(NC, NS, NB1, BATCH)

    he = E // NC
    pad2 = NS * NB2 * BATCH - he
    zp = jnp.zeros((pad2,), jnp.int32)
    fp = jnp.full((pad2,), N, jnp.int32)
    srcp2 = jnp.concatenate([src[:he], zp, src[he:], zp]).reshape(
        NC, NS, NB2, BATCH)
    dstp2 = jnp.concatenate([dst[:he], fp, dst[he:], fp]).reshape(
        NC, NS, NB2, BATCH)

    zeros = jnp.zeros((NPAD, 128), jnp.float32)
    ones = jnp.ones((BATCH, 128), jnp.float32)

    (degp,) = _make_deg()(dstp2, zeros, ones)
    u1, v1 = _tc1(x, jnp.concatenate([W1_l, W1_r], axis=1),
                  b1.reshape(1, -1))
    (s1,) = _make_segsum(NB1)(u1.reshape(2 * N, 128), srcp1, dstp1, zeros)
    u2, v2 = _tc2(s1, degp, v1,
                  jnp.concatenate([W2_l, W2_r], axis=1), b2.reshape(1, -1))
    (s2,) = _make_segsum(NB2)(u2, srcp2, dstp2, zeros)
    return _tc3(s2, degp, v2)

# --- scband reference (transcript-rebuilt; emitter-appended) ---
"""Pipeline reference for scband-graph-sage-37580963840087 (READ-ONLY COPY).

The authoritative reference and input builder live on the scoring server;
editing this copy changes nothing except your own understanding.
"""

import jax, jax.numpy as jnp
import numpy as np

N_NODES = 10000
N_EDGES = 160000
D_IN = 256
D_HID = 256
D_OUT = 128

def setup_inputs(seed: int = 0) -> dict:
    key = jax.random.key(seed)
    k = jax.random.split(key, 9)
    x = jax.random.normal(k[0], (N_NODES, D_IN), dtype=jnp.float32)
    edge_index = jax.random.randint(k[1], (2, N_EDGES), 0, N_NODES, dtype=jnp.int64)
    s1 = 1.0 / np.sqrt(D_IN)
    s2 = 1.0 / np.sqrt(D_HID)
    W1_l = jax.random.uniform(k[2], (D_IN, D_HID), minval=-s1, maxval=s1, dtype=jnp.float32)
    W1_r = jax.random.uniform(k[3], (D_IN, D_HID), minval=-s1, maxval=s1, dtype=jnp.float32)
    b1 = jax.random.uniform(k[4], (D_HID,), minval=-s1, maxval=s1, dtype=jnp.float32)
    W2_l = jax.random.uniform(k[5], (D_HID, D_OUT), minval=-s2, maxval=s2, dtype=jnp.float32)
    W2_r = jax.random.uniform(k[6], (D_HID, D_OUT), minval=-s2, maxval=s2, dtype=jnp.float32)
    b2 = jax.random.uniform(k[7], (D_OUT,), minval=-s2, maxval=s2, dtype=jnp.float32)
    return {"x": x, "edge_index": edge_index, "W1_l": W1_l, "W1_r": W1_r, "b1": b1, "W2_l": W2_l, "W2_r": W2_r, "b2": b2}

def _sage_conv(x, edge_index, W_l, W_r, b):
    # PyG SAGEConv with mean aggregation:
    # out[i] = lin_l(mean_{j in N(i)} x[j]) + lin_r(x[i])
    src = edge_index[0]
    dst = edge_index[1]
    n = x.shape[0]
    msgs = jnp.take(x, src, axis=0)
    summed = jax.ops.segment_sum(msgs, dst, num_segments=n)
    deg = jax.ops.segment_sum(jnp.ones((src.shape[0],), dtype=x.dtype), dst, num_segments=n)
    agg = summed / jnp.maximum(deg, 1.0)[:, None]
    return agg @ W_l + x @ W_r + b

def reference(x, edge_index, W1_l, W1_r, b1, W2_l, W2_r, b2):
    h = _sage_conv(x, edge_index, W1_l, W1_r, b1)
    h = jax.nn.relu(h)
    # dropout is identity in eval mode
    h = _sage_conv(h, edge_index, W2_l, W2_r, b2)
    return jax.nn.log_softmax(h, axis=1)

if __name__ == "__main__":
    import jax
    _d = setup_inputs()
    print(jax.jit(kernel)(*tuple(_d.values())))

</pallas_src>

<mosaic_0001>
#map = affine_map<(d0, d1) -> (0, 0)>
#map1 = affine_map<(d0, d1) -> (0, 0, 0, 0)>
#map2 = affine_map<(d0, d1) -> (0, 0, 0)>
module attributes {stable_mosaic.version = 14 : i64} {
  func.func @body(%arg0: i32, %arg1: i32, %arg2: memref<20000x128xf32, #tpu.memory_space<hbm>>, %arg3: memref<2x16x80x128xi32, #tpu.memory_space<hbm>>, %arg4: memref<2x16x80x128xi32, #tpu.memory_space<hbm>>, %arg5: memref<10112x128xf32, #tpu.memory_space<hbm>>, %arg6: memref<2x10112x128xf32, #tpu.memory_space<hbm>>, %arg7: memref<40x128xi32, #tpu.memory_space<vmem>>, %arg8: memref<40x128xi32, #tpu.memory_space<vmem>>, %arg9: memref<128x128xf32, #tpu.memory_space<vmem>>, %arg10: memref<128x128xf32, #tpu.memory_space<vmem>>, %arg11: memref<10112x128xf32, #tpu.memory_space<vmem_shared>>, %arg12: memref<!tpu.dma_semaphore, #tpu.memory_space<semaphore_mem>>, %arg13: memref<!tpu.dma_semaphore, #tpu.memory_space<semaphore_mem>>) attributes {dimension_semantics = [#tpu.dimension_semantics<core_parallel>, #tpu.dimension_semantics<subcore_parallel>], iteration_bounds = array<i64: 2, 16>, scalar_prefetch = 0 : i64, scratch_operands = 7 : i64, tpu.core_type = #tpu.core_type<sc_vector_subcore>, window_params = [{transform_indices = #map}, {transform_indices = #map1}, {transform_indices = #map1}, {transform_indices = #map}, {transform_indices = #map2}]} {
    %mul3A = arith.constant 632 : i32
    %mul3A_0 = arith.muli %arg1, %mul3A : i32
    "tpu.region"() ({
      %run_scoped3A = tpu.sem_alloc : memref<!tpu.dma_semaphore, #tpu.memory_space<semaphore_mem>>
      %dma_start3A_40 = arith.constant 0 : i32
      %dma_start3A_41 = arith.constant 0 : i32
      %dma_start3A_42 = tpu.memref_slice %arg3[%arg0, %arg1, %dma_start3A_40, %dma_start3A_41] : memref<2x16x80x128xi32, #tpu.memory_space<hbm>> -> memref<1x1x40x128xi32, #tpu.memory_space<hbm>>
      %dma_start3A_43 = tpu.memref_squeeze %dma_start3A_42 : memref<1x1x40x128xi32, #tpu.memory_space<hbm>> -> memref<40x128xi32, #tpu.memory_space<hbm>>
      %dma_start3A_44 = arith.constant 0 : i32
      %dma_start3A_45 = arith.constant 0 : i32
      %dma_start3A_46 = tpu.memref_slice %arg3[%arg0, %arg1, %dma_start3A_44, %dma_start3A_45] : memref<2x16x80x128xi32, #tpu.memory_space<hbm>> -> memref<1x1x40x128xi32, #tpu.memory_space<hbm>>
      %dma_start3A_47 = tpu.memref_squeeze %dma_start3A_46 : memref<1x1x40x128xi32, #tpu.memory_space<hbm>> -> memref<40x128xi32, #tpu.memory_space<hbm>>
      tpu.enqueue_dma source(%dma_start3A_47 : memref<40x128xi32, #tpu.memory_space<hbm>>) target(%arg7 : memref<40x128xi32, #tpu.memory_space<vmem>>) target_semaphore(%run_scoped3A : memref<!tpu.dma_semaphore, #tpu.memory_space<semaphore_mem>>)
      %dma_wait3A = arith.constant 0 : i32
      %dma_wait3A_48 = arith.constant 0 : i32
      %dma_wait3A_49 = tpu.memref_slice %arg3[%arg0, %arg1, %dma_wait3A, %dma_wait3A_48] : memref<2x16x80x128xi32, #tpu.memory_space<hbm>> -> memref<1x1x40x128xi32, #tpu.memory_space<hbm>>
      %dma_wait3A_50 = tpu.memref_squeeze %dma_wait3A_49 : memref<1x1x40x128xi32, #tpu.memory_space<hbm>> -> memref<40x128xi32, #tpu.memory_space<hbm>>
      %dma_wait3A_51 = arith.constant 0 : i32
      %dma_wait3A_52 = arith.constant 0 : i32
      %dma_wait3A_53 = tpu.memref_slice %arg3[%arg0, %arg1, %dma_wait3A_51, %dma_wait3A_52] : memref<2x16x80x128xi32, #tpu.memory_space<hbm>> -> memref<1x1x40x128xi32, #tpu.memory_space<hbm>>
      %dma_wait3A_54 = tpu.memref_squeeze %dma_wait3A_53 : memref<1x1x40x128xi32, #tpu.memory_space<hbm>> -> memref<40x128xi32, #tpu.memory_space<hbm>>
      tpu.wait_dma2 semaphore(%run_scoped3A : memref<!tpu.dma_semaphore, #tpu.memory_space<semaphore_mem>>) src(%dma_wait3A_54 : memref<40x128xi32, #tpu.memory_space<hbm>>) dst(%arg7 : memref<40x128xi32, #tpu.memory_space<vmem>>)
      tpu.yield
    }) : () -> ()
    "tpu.region"() ({
      %run_scoped3A = tpu.sem_alloc : memref<!tpu.dma_semaphore, #tpu.memory_space<semaphore_mem>>
      %dma_start3A_40 = arith.constant 0 : i32
      %dma_start3A_41 = arith.constant 0 : i32
      %dma_start3A_42 = tpu.memref_slice %arg4[%arg0, %arg1, %dma_start3A_40, %dma_start3A_41] : memref<2x16x80x128xi32, #tpu.memory_space<hbm>> -> memref<1x1x40x128xi32, #tpu.memory_space<hbm>>
      %dma_start3A_43 = tpu.memref_squeeze %dma_start3A_42 : memref<1x1x40x128xi32, #tpu.memory_space<hbm>> -> memref<40x128xi32, #tpu.memory_space<hbm>>
      %dma_start3A_44 = arith.constant 0 : i32
      %dma_start3A_45 = arith.constant 0 : i32
      %dma_start3A_46 = tpu.memref_slice %arg4[%arg0, %arg1, %dma_start3A_44, %dma_start3A_45] : memref<2x16x80x128xi32, #tpu.memory_space<hbm>> -> memref<1x1x40x128xi32, #tpu.memory_space<hbm>>
      %dma_start3A_47 = tpu.memref_squeeze %dma_start3A_46 : memref<1x1x40x128xi32, #tpu.memory_space<hbm>> -> memref<40x128xi32, #tpu.memory_space<hbm>>
      tpu.enqueue_dma source(%dma_start3A_47 : memref<40x128xi32, #tpu.memory_space<hbm>>) target(%arg8 : memref<40x128xi32, #tpu.memory_space<vmem>>) target_semaphore(%run_scoped3A : memref<!tpu.dma_semaphore, #tpu.memory_space<semaphore_mem>>)
      %dma_wait3A = arith.constant 0 : i32
      %dma_wait3A_48 = arith.constant 0 : i32
      %dma_wait3A_49 = tpu.memref_slice %arg4[%arg0, %arg1, %dma_wait3A, %dma_wait3A_48] : memref<2x16x80x128xi32, #tpu.memory_space<hbm>> -> memref<1x1x40x128xi32, #tpu.memory_space<hbm>>
      %dma_wait3A_50 = tpu.memref_squeeze %dma_wait3A_49 : memref<1x1x40x128xi32, #tpu.memory_space<hbm>> -> memref<40x128xi32, #tpu.memory_space<hbm>>
      %dma_wait3A_51 = arith.constant 0 : i32
      %dma_wait3A_52 = arith.constant 0 : i32
      %dma_wait3A_53 = tpu.memref_slice %arg4[%arg0, %arg1, %dma_wait3A_51, %dma_wait3A_52] : memref<2x16x80x128xi32, #tpu.memory_space<hbm>> -> memref<1x1x40x128xi32, #tpu.memory_space<hbm>>
      %dma_wait3A_54 = tpu.memref_squeeze %dma_wait3A_53 : memref<1x1x40x128xi32, #tpu.memory_space<hbm>> -> memref<40x128xi32, #tpu.memory_space<hbm>>
      tpu.wait_dma2 semaphore(%run_scoped3A : memref<!tpu.dma_semaphore, #tpu.memory_space<semaphore_mem>>) src(%dma_wait3A_54 : memref<40x128xi32, #tpu.memory_space<hbm>>) dst(%arg8 : memref<40x128xi32, #tpu.memory_space<vmem>>)
      tpu.yield
    }) : () -> ()
    %dma_start3A = arith.constant 0 : i32
    %dma_start3A_1 = arith.constant 0 : i32
    %dma_start3A_2 = tpu.memref_slice %arg7[%dma_start3A, %dma_start3A_1] : memref<40x128xi32, #tpu.memory_space<vmem>> -> memref<1x128xi32, #tpu.memory_space<vmem>>
    %dma_start3A_3 = tpu.memref_squeeze %dma_start3A_2 : memref<1x128xi32, #tpu.memory_space<vmem>> -> memref<128xi32, #tpu.memory_space<vmem>>
    %dma_start3A_4 = arith.constant 0 : i32
    %dma_start3A_5 = arith.constant 0 : i32
    %dma_start3A_6 = tpu.memref_slice %arg2[%dma_start3A_4, %dma_start3A_5] : memref<20000x128xf32, #tpu.memory_space<hbm>> -> memref<20000x128xf32, #tpu.memory_space<hbm>>
    tpu.enqueue_indirect_dma source(%dma_start3A_6 : memref<20000x128xf32, #tpu.memory_space<hbm>>) target(%arg9 : memref<128x128xf32, #tpu.memory_space<vmem>>) offsets(%dma_start3A_3 : memref<128xi32, #tpu.memory_space<vmem>>) semaphore(%arg12 : memref<!tpu.dma_semaphore, #tpu.memory_space<semaphore_mem>>)
    %dma_start3A_7 = arith.constant 1 : i32
    %dma_start3A_8 = arith.constant 0 : i32
    %dma_start3A_9 = tpu.memref_slice %arg7[%dma_start3A_7, %dma_start3A_8] : memref<40x128xi32, #tpu.memory_space<vmem>> -> memref<1x128xi32, #tpu.memory_space<vmem>>
    %dma_start3A_10 = tpu.memref_squeeze %dma_start3A_9 : memref<1x128xi32, #tpu.memory_space<vmem>> -> memref<128xi32, #tpu.memory_space<vmem>>
    %dma_start3A_11 = arith.constant 0 : i32
    %dma_start3A_12 = arith.constant 0 : i32
    %dma_start3A_13 = tpu.memref_slice %arg2[%dma_start3A_11, %dma_start3A_12] : memref<20000x128xf32, #tpu.memory_space<hbm>> -> memref<20000x128xf32, #tpu.memory_space<hbm>>
    tpu.enqueue_indirect_dma source(%dma_start3A_13 : memref<20000x128xf32, #tpu.memory_space<hbm>>) target(%arg10 : memref<128x128xf32, #tpu.memory_space<vmem>>) offsets(%dma_start3A_10 : memref<128xi32, #tpu.memory_space<vmem>>) semaphore(%arg13 : memref<!tpu.dma_semaphore, #tpu.memory_space<semaphore_mem>>)
    "tpu.region"() ({
      %run_scoped3A = tpu.sem_alloc : memref<!tpu.dma_semaphore, #tpu.memory_space<semaphore_mem>>
      %dma_start3A_40 = arith.constant 0 : i32
      %dma_start3A_41 = tpu.memref_slice %arg11[%mul3A_0, %dma_start3A_40] : memref<10112x128xf32, #tpu.memory_space<vmem_shared>> -> memref<632x128xf32, #tpu.memory_space<vmem_shared>>
      %dma_start3A_42 = arith.constant 0 : i32
      %dma_start3A_43 = tpu.memref_slice %arg5[%mul3A_0, %dma_start3A_42] : memref<10112x128xf32, #tpu.memory_space<hbm>> -> memref<632x128xf32, #tpu.memory_space<hbm>>
      tpu.enqueue_dma source(%dma_start3A_43 : memref<632x128xf32, #tpu.memory_space<hbm>>) target(%dma_start3A_41 : memref<632x128xf32, #tpu.memory_space<vmem_shared>>) target_semaphore(%run_scoped3A : memref<!tpu.dma_semaphore, #tpu.memory_space<semaphore_mem>>)
      %dma_wait3A = arith.constant 0 : i32
      %dma_wait3A_44 = tpu.memref_slice %arg11[%mul3A_0, %dma_wait3A] : memref<10112x128xf32, #tpu.memory_space<vmem_shared>> -> memref<632x128xf32, #tpu.memory_space<vmem_shared>>
      %dma_wait3A_45 = arith.constant 0 : i32
      %dma_wait3A_46 = tpu.memref_slice %arg5[%mul3A_0, %dma_wait3A_45] : memref<10112x128xf32, #tpu.memory_space<hbm>> -> memref<632x128xf32, #tpu.memory_space<hbm>>
      tpu.wait_dma2 semaphore(%run_scoped3A : memref<!tpu.dma_semaphore, #tpu.memory_space<semaphore_mem>>) src(%dma_wait3A_46 : memref<632x128xf32, #tpu.memory_space<hbm>>) dst(%dma_wait3A_44 : memref<632x128xf32, #tpu.memory_space<vmem_shared>>)
      tpu.yield
    }) : () -> ()
    %barrier3A = arith.constant 0 : index
    tpu.barrier barrier_id(%barrier3A)
    %scan3A = arith.constant 0 : i32
    %scan3A_14 = arith.constant 0 : i32
    %scan3A_15 = arith.constant 20 : i32
    %scan3A_16 = arith.addi %scan3A_14, %scan3A_15 : i32
    %scan3A_17 = arith.constant 1 : i32
    scf.for %scan3A_40 = %scan3A_14 to %scan3A_16 step %scan3A_17  : i32 {
      %mul3A_41 = arith.constant 2 : i32
      %mul3A_42 = arith.muli %mul3A_41, %scan3A_40 : i32
      %add3A = arith.constant 1 : i32
      %add3A_43 = arith.addi %mul3A_42, %add3A : i32
      %dma_wait3A = arith.constant 0 : i32
      %dma_wait3A_44 = tpu.memref_slice %arg7[%mul3A_42, %dma_wait3A] : memref<40x128xi32, #tpu.memory_space<vmem>> -> memref<1x128xi32, #tpu.memory_space<vmem>>
      %dma_wait3A_45 = tpu.memref_squeeze %dma_wait3A_44 : memref<1x128xi32, #tpu.memory_space<vmem>> -> memref<128xi32, #tpu.memory_space<vmem>>
      %dma_wait3A_46 = arith.constant 0 : i32
      %dma_wait3A_47 = arith.constant 0 : i32
      %dma_wait3A_48 = tpu.memref_slice %arg2[%dma_wait3A_46, %dma_wait3A_47] : memref<20000x128xf32, #tpu.memory_space<hbm>> -> memref<20000x128xf32, #tpu.memory_space<hbm>>
      tpu.wait_indirect_dma semaphore(%arg12 : memref<!tpu.dma_semaphore, #tpu.memory_space<semaphore_mem>>) src(%dma_wait3A_48 : memref<20000x128xf32, #tpu.memory_space<hbm>>) dst(%arg9 : memref<128x128xf32, #tpu.memory_space<vmem>>)
      "tpu.region"() ({
        %run_scoped3A = tpu.sem_alloc : memref<!tpu.dma_semaphore, #tpu.memory_space<semaphore_mem>>
        %dma_start3A_66 = arith.constant 0 : i32
        %dma_start3A_67 = tpu.memref_slice %arg8[%mul3A_42, %dma_start3A_66] : memref<40x128xi32, #tpu.memory_space<vmem>> -> memref<1x128xi32, #tpu.memory_space<vmem>>
        %dma_start3A_68 = tpu.memref_squeeze %dma_start3A_67 : memref<1x128xi32, #tpu.memory_space<vmem>> -> memref<128xi32, #tpu.memory_space<vmem>>
        %dma_start3A_69 = arith.constant 0 : i32
        %dma_start3A_70 = arith.constant 0 : i32
        %dma_start3A_71 = tpu.memref_slice %arg11[%dma_start3A_69, %dma_start3A_70] : memref<10112x128xf32, #tpu.memory_space<vmem_shared>> -> memref<10112x128xf32, #tpu.memory_space<vmem_shared>>
        tpu.enqueue_indirect_dma source(%arg9 : memref<128x128xf32, #tpu.memory_space<vmem>>) target(%dma_start3A_71 : memref<10112x128xf32, #tpu.memory_space<vmem_shared>>) offsets(%dma_start3A_68 : memref<128xi32, #tpu.memory_space<vmem>>) semaphore(%run_scoped3A : memref<!tpu.dma_semaphore, #tpu.memory_space<semaphore_mem>>) {add = true}
        %dma_wait3A_72 = arith.constant 0 : i32
        %dma_wait3A_73 = tpu.memref_slice %arg8[%mul3A_42, %dma_wait3A_72] : memref<40x128xi32, #tpu.memory_space<vmem>> -> memref<1x128xi32, #tpu.memory_space<vmem>>
        %dma_wait3A_74 = tpu.memref_squeeze %dma_wait3A_73 : memref<1x128xi32, #tpu.memory_space<vmem>> -> memref<128xi32, #tpu.memory_space<vmem>>
        %dma_wait3A_75 = arith.constant 0 : i32
        %dma_wait3A_76 = arith.constant 0 : i32
        %dma_wait3A_77 = tpu.memref_slice %arg11[%dma_wait3A_75, %dma_wait3A_76] : memref<10112x128xf32, #tpu.memory_space<vmem_shared>> -> memref<10112x128xf32, #tpu.memory_space<vmem_shared>>
        tpu.wait_indirect_dma semaphore(%run_scoped3A : memref<!tpu.dma_semaphore, #tpu.memory_space<semaphore_mem>>) src(%arg9 : memref<128x128xf32, #tpu.memory_space<vmem>>) dst(%dma_wait3A_77 : memref<10112x128xf32, #tpu.memory_space<vmem_shared>>)
        tpu.yield
      }) : () -> ()
      %add3A_49 = arith.constant 2 : i32
      %add3A_50 = arith.addi %mul3A_42, %add3A_49 : i32
      %lt3A = arith.constant 40 : i32
      %lt3A_51 = arith.cmpi slt, %add3A_50, %lt3A : i32
      %convert_element_type3A = arith.extui %lt3A_51 : i1 to i32
      %cond3A = arith.constant 0 : i32
      %cond3A_52 = arith.cmpi ne, %convert_element_type3A, %cond3A : i32
      scf.if %cond3A_52 {
        %add3A_66 = arith.constant 2 : i32
        %add3A_67 = arith.addi %mul3A_42, %add3A_66 : i32
        %dma_start3A_68 = arith.constant 0 : i32
        %dma_start3A_69 = tpu.memref_slice %arg7[%add3A_67, %dma_start3A_68] : memref<40x128xi32, #tpu.memory_space<vmem>> -> memref<1x128xi32, #tpu.memory_space<vmem>>
        %dma_start3A_70 = tpu.memref_squeeze %dma_start3A_69 : memref<1x128xi32, #tpu.memory_space<vmem>> -> memref<128xi32, #tpu.memory_space<vmem>>
        %dma_start3A_71 = arith.constant 0 : i32
        %dma_start3A_72 = arith.constant 0 : i32
        %dma_start3A_73 = tpu.memref_slice %arg2[%dma_start3A_71, %dma_start3A_72] : memref<20000x128xf32, #tpu.memory_space<hbm>> -> memref<20000x128xf32, #tpu.memory_space<hbm>>
        tpu.enqueue_indirect_dma source(%dma_start3A_73 : memref<20000x128xf32, #tpu.memory_space<hbm>>) target(%arg9 : memref<128x128xf32, #tpu.memory_space<vmem>>) offsets(%dma_start3A_70 : memref<128xi32, #tpu.memory_space<vmem>>) semaphore(%arg12 : memref<!tpu.dma_semaphore, #tpu.memory_space<semaphore_mem>>)
      } else {
      }
      %dma_wait3A_53 = arith.constant 0 : i32
      %dma_wait3A_54 = tpu.memref_slice %arg7[%add3A_43, %dma_wait3A_53] : memref<40x128xi32, #tpu.memory_space<vmem>> -> memref<1x128xi32, #tpu.memory_space<vmem>>
      %dma_wait3A_55 = tpu.memref_squeeze %dma_wait3A_54 : memref<1x128xi32, #tpu.memory_space<vmem>> -> memref<128xi32, #tpu.memory_space<vmem>>
      %dma_wait3A_56 = arith.constant 0 : i32
      %dma_wait3A_57 = arith.constant 0 : i32
      %dma_wait3A_58 = tpu.memref_slice %arg2[%dma_wait3A_56, %dma_wait3A_57] : memref<20000x128xf32, #tpu.memory_space<hbm>> -> memref<20000x128xf32, #tpu.memory_space<hbm>>
      tpu.wait_indirect_dma semaphore(%arg13 : memref<!tpu.dma_semaphore, #tpu.memory_space<semaphore_mem>>) src(%dma_wait3A_58 : memref<20000x128xf32, #tpu.memory_space<hbm>>) dst(%arg10 : memref<128x128xf32, #tpu.memory_space<vmem>>)
      "tpu.region"() ({
        %run_scoped3A = tpu.sem_alloc : memref<!tpu.dma_semaphore, #tpu.memory_space<semaphore_mem>>
        %dma_start3A_66 = arith.constant 0 : i32
        %dma_start3A_67 = tpu.memref_slice %arg8[%add3A_43, %dma_start3A_66] : memref<40x128xi32, #tpu.memory_space<vmem>> -> memref<1x128xi32, #tpu.memory_space<vmem>>
        %dma_start3A_68 = tpu.memref_squeeze %dma_start3A_67 : memref<1x128xi32, #tpu.memory_space<vmem>> -> memref<128xi32, #tpu.memory_space<vmem>>
        %dma_start3A_69 = arith.constant 0 : i32
        %dma_start3A_70 = arith.constant 0 : i32
        %dma_start3A_71 = tpu.memref_slice %arg11[%dma_start3A_69, %dma_start3A_70] : memref<10112x128xf32, #tpu.memory_space<vmem_shared>> -> memref<10112x128xf32, #tpu.memory_space<vmem_shared>>
        tpu.enqueue_indirect_dma source(%arg10 : memref<128x128xf32, #tpu.memory_space<vmem>>) target(%dma_start3A_71 : memref<10112x128xf32, #tpu.memory_space<vmem_shared>>) offsets(%dma_start3A_68 : memref<128xi32, #tpu.memory_space<vmem>>) semaphore(%run_scoped3A : memref<!tpu.dma_semaphore, #tpu.memory_space<semaphore_mem>>) {add = true}
        %dma_wait3A_72 = arith.constant 0 : i32
        %dma_wait3A_73 = tpu.memref_slice %arg8[%add3A_43, %dma_wait3A_72] : memref<40x128xi32, #tpu.memory_space<vmem>> -> memref<1x128xi32, #tpu.memory_space<vmem>>
        %dma_wait3A_74 = tpu.memref_squeeze %dma_wait3A_73 : memref<1x128xi32, #tpu.memory_space<vmem>> -> memref<128xi32, #tpu.memory_space<vmem>>
        %dma_wait3A_75 = arith.constant 0 : i32
        %dma_wait3A_76 = arith.constant 0 : i32
        %dma_wait3A_77 = tpu.memref_slice %arg11[%dma_wait3A_75, %dma_wait3A_76] : memref<10112x128xf32, #tpu.memory_space<vmem_shared>> -> memref<10112x128xf32, #tpu.memory_space<vmem_shared>>
        tpu.wait_indirect_dma semaphore(%run_scoped3A : memref<!tpu.dma_semaphore, #tpu.memory_space<semaphore_mem>>) src(%arg10 : memref<128x128xf32, #tpu.memory_space<vmem>>) dst(%dma_wait3A_77 : memref<10112x128xf32, #tpu.memory_space<vmem_shared>>)
        tpu.yield
      }) : () -> ()
      %add3A_59 = arith.constant 2 : i32
      %add3A_60 = arith.addi %add3A_43, %add3A_59 : i32
      %lt3A_61 = arith.constant 40 : i32
      %lt3A_62 = arith.cmpi slt, %add3A_60, %lt3A_61 : i32
      %convert_element_type3A_63 = arith.extui %lt3A_62 : i1 to i32
      %cond3A_64 = arith.constant 0 : i32
      %cond3A_65 = arith.cmpi ne, %convert_element_type3A_63, %cond3A_64 : i32
      scf.if %cond3A_65 {
        %add3A_66 = arith.constant 2 : i32
        %add3A_67 = arith.addi %add3A_43, %add3A_66 : i32
        %dma_start3A_68 = arith.constant 0 : i32
        %dma_start3A_69 = tpu.memref_slice %arg7[%add3A_67, %dma_start3A_68] : memref<40x128xi32, #tpu.memory_space<vmem>> -> memref<1x128xi32, #tpu.memory_space<vmem>>
        %dma_start3A_70 = tpu.memref_squeeze %dma_start3A_69 : memref<1x128xi32, #tpu.memory_space<vmem>> -> memref<128xi32, #tpu.memory_space<vmem>>
        %dma_start3A_71 = arith.constant 0 : i32
        %dma_start3A_72 = arith.constant 0 : i32
        %dma_start3A_73 = tpu.memref_slice %arg2[%dma_start3A_71, %dma_start3A_72] : memref<20000x128xf32, #tpu.memory_space<hbm>> -> memref<20000x128xf32, #tpu.memory_space<hbm>>
        tpu.enqueue_indirect_dma source(%dma_start3A_73 : memref<20000x128xf32, #tpu.memory_space<hbm>>) target(%arg10 : memref<128x128xf32, #tpu.memory_space<vmem>>) offsets(%dma_start3A_70 : memref<128xi32, #tpu.memory_space<vmem>>) semaphore(%arg13 : memref<!tpu.dma_semaphore, #tpu.memory_space<semaphore_mem>>)
      } else {
      }
    }
    %scan3A_18 = arith.constant 20 : i32
    "tpu.region"() ({
      %run_scoped3A = tpu.sem_alloc : memref<!tpu.dma_semaphore, #tpu.memory_space<semaphore_mem>>
      %dma_start3A_40 = arith.constant 40 : i32
      %dma_start3A_41 = arith.constant 0 : i32
      %dma_start3A_42 = tpu.memref_slice %arg3[%arg0, %arg1, %dma_start3A_40, %dma_start3A_41] : memref<2x16x80x128xi32, #tpu.memory_space<hbm>> -> memref<1x1x40x128xi32, #tpu.memory_space<hbm>>
      %dma_start3A_43 = tpu.memref_squeeze %dma_start3A_42 : memref<1x1x40x128xi32, #tpu.memory_space<hbm>> -> memref<40x128xi32, #tpu.memory_space<hbm>>
      %dma_start3A_44 = arith.constant 40 : i32
      %dma_start3A_45 = arith.constant 0 : i32
      %dma_start3A_46 = tpu.memref_slice %arg3[%arg0, %arg1, %dma_start3A_44, %dma_start3A_45] : memref<2x16x80x128xi32, #tpu.memory_space<hbm>> -> memref<1x1x40x128xi32, #tpu.memory_space<hbm>>
      %dma_start3A_47 = tpu.memref_squeeze %dma_start3A_46 : memref<1x1x40x128xi32, #tpu.memory_space<hbm>> -> memref<40x128xi32, #tpu.memory_space<hbm>>
      tpu.enqueue_dma source(%dma_start3A_47 : memref<40x128xi32, #tpu.memory_space<hbm>>) target(%arg7 : memref<40x128xi32, #tpu.memory_space<vmem>>) target_semaphore(%run_scoped3A : memref<!tpu.dma_semaphore, #tpu.memory_space<semaphore_mem>>)
      %dma_wait3A = arith.constant 40 : i32
      %dma_wait3A_48 = arith.constant 0 : i32
      %dma_wait3A_49 = tpu.memref_slice %arg3[%arg0, %arg1, %dma_wait3A, %dma_wait3A_48] : memref<2x16x80x128xi32, #tpu.memory_space<hbm>> -> memref<1x1x40x128xi32, #tpu.memory_space<hbm>>
      %dma_wait3A_50 = tpu.memref_squeeze %dma_wait3A_49 : memref<1x1x40x128xi32, #tpu.memory_space<hbm>> -> memref<40x128xi32, #tpu.memory_space<hbm>>
      %dma_wait3A_51 = arith.constant 40 : i32
      %dma_wait3A_52 = arith.constant 0 : i32
      %dma_wait3A_53 = tpu.memref_slice %arg3[%arg0, %arg1, %dma_wait3A_51, %dma_wait3A_52] : memref<2x16x80x128xi32, #tpu.memory_space<hbm>> -> memref<1x1x40x128xi32, #tpu.memory_space<hbm>>
      %dma_wait3A_54 = tpu.memref_squeeze %dma_wait3A_53 : memref<1x1x40x128xi32, #tpu.memory_space<hbm>> -> memref<40x128xi32, #tpu.memory_space<hbm>>
      tpu.wait_dma2 semaphore(%run_scoped3A : memref<!tpu.dma_semaphore, #tpu.memory_space<semaphore_mem>>) src(%dma_wait3A_54 : memref<40x128xi32, #tpu.memory_space<hbm>>) dst(%arg7 : memref<40x128xi32, #tpu.memory_space<vmem>>)
      tpu.yield
    }) : () -> ()
    "tpu.region"() ({
      %run_scoped3A = tpu.sem_alloc : memref<!tpu.dma_semaphore, #tpu.memory_space<semaphore_mem>>
      %dma_start3A_40 = arith.constant 40 : i32
      %dma_start3A_41 = arith.constant 0 : i32
      %dma_start3A_42 = tpu.memref_slice %arg4[%arg0, %arg1, %dma_start3A_40, %dma_start3A_41] : memref<2x16x80x128xi32, #tpu.memory_space<hbm>> -> memref<1x1x40x128xi32, #tpu.memory_space<hbm>>
      %dma_start3A_43 = tpu.memref_squeeze %dma_start3A_42 : memref<1x1x40x128xi32, #tpu.memory_space<hbm>> -> memref<40x128xi32, #tpu.memory_space<hbm>>
      %dma_start3A_44 = arith.constant 40 : i32
      %dma_start3A_45 = arith.constant 0 : i32
      %dma_start3A_46 = tpu.memref_slice %arg4[%arg0, %arg1, %dma_start3A_44, %dma_start3A_45] : memref<2x16x80x128xi32, #tpu.memory_space<hbm>> -> memref<1x1x40x128xi32, #tpu.memory_space<hbm>>
      %dma_start3A_47 = tpu.memref_squeeze %dma_start3A_46 : memref<1x1x40x128xi32, #tpu.memory_space<hbm>> -> memref<40x128xi32, #tpu.memory_space<hbm>>
      tpu.enqueue_dma source(%dma_start3A_47 : memref<40x128xi32, #tpu.memory_space<hbm>>) target(%arg8 : memref<40x128xi32, #tpu.memory_space<vmem>>) target_semaphore(%run_scoped3A : memref<!tpu.dma_semaphore, #tpu.memory_space<semaphore_mem>>)
      %dma_wait3A = arith.constant 40 : i32
      %dma_wait3A_48 = arith.constant 0 : i32
      %dma_wait3A_49 = tpu.memref_slice %arg4[%arg0, %arg1, %dma_wait3A, %dma_wait3A_48] : memref<2x16x80x128xi32, #tpu.memory_space<hbm>> -> memref<1x1x40x128xi32, #tpu.memory_space<hbm>>
      %dma_wait3A_50 = tpu.memref_squeeze %dma_wait3A_49 : memref<1x1x40x128xi32, #tpu.memory_space<hbm>> -> memref<40x128xi32, #tpu.memory_space<hbm>>
      %dma_wait3A_51 = arith.constant 40 : i32
      %dma_wait3A_52 = arith.constant 0 : i32
      %dma_wait3A_53 = tpu.memref_slice %arg4[%arg0, %arg1, %dma_wait3A_51, %dma_wait3A_52] : memref<2x16x80x128xi32, #tpu.memory_space<hbm>> -> memref<1x1x40x128xi32, #tpu.memory_space<hbm>>
      %dma_wait3A_54 = tpu.memref_squeeze %dma_wait3A_53 : memref<1x1x40x128xi32, #tpu.memory_space<hbm>> -> memref<40x128xi32, #tpu.memory_space<hbm>>
      tpu.wait_dma2 semaphore(%run_scoped3A : memref<!tpu.dma_semaphore, #tpu.memory_space<semaphore_mem>>) src(%dma_wait3A_54 : memref<40x128xi32, #tpu.memory_space<hbm>>) dst(%arg8 : memref<40x128xi32, #tpu.memory_space<vmem>>)
      tpu.yield
    }) : () -> ()
    %dma_start3A_19 = arith.constant 0 : i32
    %dma_start3A_20 = arith.constant 0 : i32
    %dma_start3A_21 = tpu.memref_slice %arg7[%dma_start3A_19, %dma_start3A_20] : memref<40x128xi32, #tpu.memory_space<vmem>> -> memref<1x128xi32, #tpu.memory_space<vmem>>
    %dma_start3A_22 = tpu.memref_squeeze %dma_start3A_21 : memref<1x128xi32, #tpu.memory_space<vmem>> -> memref<128xi32, #tpu.memory_space<vmem>>
    %dma_start3A_23 = arith.constant 0 : i32
    %dma_start3A_24 = arith.constant 0 : i32
    %dma_start3A_25 = tpu.memref_slice %arg2[%dma_start3A_23, %dma_start3A_24] : memref<20000x128xf32, #tpu.memory_space<hbm>> -> memref<20000x128xf32, #tpu.memory_space<hbm>>
    tpu.enqueue_indirect_dma source(%dma_start3A_25 : memref<20000x128xf32, #tpu.memory_space<hbm>>) target(%arg9 : memref<128x128xf32, #tpu.memory_space<vmem>>) offsets(%dma_start3A_22 : memref<128xi32, #tpu.memory_space<vmem>>) semaphore(%arg12 : memref<!tpu.dma_semaphore, #tpu.memory_space<semaphore_mem>>)
    %dma_start3A_26 = arith.constant 1 : i32
    %dma_start3A_27 = arith.constant 0 : i32
    %dma_start3A_28 = tpu.memref_slice %arg7[%dma_start3A_26, %dma_start3A_27] : memref<40x128xi32, #tpu.memory_space<vmem>> -> memref<1x128xi32, #tpu.memory_space<vmem>>
    %dma_start3A_29 = tpu.memref_squeeze %dma_start3A_28 : memref<1x128xi32, #tpu.memory_space<vmem>> -> memref<128xi32, #tpu.memory_space<vmem>>
    %dma_start3A_30 = arith.constant 0 : i32
    %dma_start3A_31 = arith.constant 0 : i32
    %dma_start3A_32 = tpu.memref_slice %arg2[%dma_start3A_30, %dma_start3A_31] : memref<20000x128xf32, #tpu.memory_space<hbm>> -> memref<20000x128xf32, #tpu.memory_space<hbm>>
    tpu.enqueue_indirect_dma source(%dma_start3A_32 : memref<20000x128xf32, #tpu.memory_space<hbm>>) target(%arg10 : memref<128x128xf32, #tpu.memory_space<vmem>>) offsets(%dma_start3A_29 : memref<128xi32, #tpu.memory_space<vmem>>) semaphore(%arg13 : memref<!tpu.dma_semaphore, #tpu.memory_space<semaphore_mem>>)
    %scan3A_33 = arith.constant 0 : i32
    %scan3A_34 = arith.constant 0 : i32
    %scan3A_35 = arith.constant 20 : i32
    %scan3A_36 = arith.addi %scan3A_34, %scan3A_35 : i32
    %scan3A_37 = arith.constant 1 : i32
    scf.for %scan3A_40 = %scan3A_34 to %scan3A_36 step %scan3A_37  : i32 {
      %mul3A_41 = arith.constant 2 : i32
      %mul3A_42 = arith.muli %mul3A_41, %scan3A_40 : i32
      %add3A = arith.constant 1 : i32
      %add3A_43 = arith.addi %mul3A_42, %add3A : i32
      %dma_wait3A = arith.constant 0 : i32
      %dma_wait3A_44 = tpu.memref_slice %arg7[%mul3A_42, %dma_wait3A] : memref<40x128xi32, #tpu.memory_space<vmem>> -> memref<1x128xi32, #tpu.memory_space<vmem>>
      %dma_wait3A_45 = tpu.memref_squeeze %dma_wait3A_44 : memref<1x128xi32, #tpu.memory_space<vmem>> -> memref<128xi32, #tpu.memory_space<vmem>>
      %dma_wait3A_46 = arith.constant 0 : i32
      %dma_wait3A_47 = arith.constant 0 : i32
      %dma_wait3A_48 = tpu.memref_slice %arg2[%dma_wait3A_46, %dma_wait3A_47] : memref<20000x128xf32, #tpu.memory_space<hbm>> -> memref<20000x128xf32, #tpu.memory_space<hbm>>
      tpu.wait_indirect_dma semaphore(%arg12 : memref<!tpu.dma_semaphore, #tpu.memory_space<semaphore_mem>>) src(%dma_wait3A_48 : memref<20000x128xf32, #tpu.memory_space<hbm>>) dst(%arg9 : memref<128x128xf32, #tpu.memory_space<vmem>>)
      "tpu.region"() ({
        %run_scoped3A = tpu.sem_alloc : memref<!tpu.dma_semaphore, #tpu.memory_space<semaphore_mem>>
        %dma_start3A_66 = arith.constant 0 : i32
        %dma_start3A_67 = tpu.memref_slice %arg8[%mul3A_42, %dma_start3A_66] : memref<40x128xi32, #tpu.memory_space<vmem>> -> memref<1x128xi32, #tpu.memory_space<vmem>>
        %dma_start3A_68 = tpu.memref_squeeze %dma_start3A_67 : memref<1x128xi32, #tpu.memory_space<vmem>> -> memref<128xi32, #tpu.memory_space<vmem>>
        %dma_start3A_69 = arith.constant 0 : i32
        %dma_start3A_70 = arith.constant 0 : i32
        %dma_start3A_71 = tpu.memref_slice %arg11[%dma_start3A_69, %dma_start3A_70] : memref<10112x128xf32, #tpu.memory_space<vmem_shared>> -> memref<10112x128xf32, #tpu.memory_space<vmem_shared>>
        tpu.enqueue_indirect_dma source(%arg9 : memref<128x128xf32, #tpu.memory_space<vmem>>) target(%dma_start3A_71 : memref<10112x128xf32, #tpu.memory_space<vmem_shared>>) offsets(%dma_start3A_68 : memref<128xi32, #tpu.memory_space<vmem>>) semaphore(%run_scoped3A : memref<!tpu.dma_semaphore, #tpu.memory_space<semaphore_mem>>) {add = true}
        %dma_wait3A_72 = arith.constant 0 : i32
        %dma_wait3A_73 = tpu.memref_slice %arg8[%mul3A_42, %dma_wait3A_72] : memref<40x128xi32, #tpu.memory_space<vmem>> -> memref<1x128xi32, #tpu.memory_space<vmem>>
        %dma_wait3A_74 = tpu.memref_squeeze %dma_wait3A_73 : memref<1x128xi32, #tpu.memory_space<vmem>> -> memref<128xi32, #tpu.memory_space<vmem>>
        %dma_wait3A_75 = arith.constant 0 : i32
        %dma_wait3A_76 = arith.constant 0 : i32
        %dma_wait3A_77 = tpu.memref_slice %arg11[%dma_wait3A_75, %dma_wait3A_76] : memref<10112x128xf32, #tpu.memory_space<vmem_shared>> -> memref<10112x128xf32, #tpu.memory_space<vmem_shared>>
        tpu.wait_indirect_dma semaphore(%run_scoped3A : memref<!tpu.dma_semaphore, #tpu.memory_space<semaphore_mem>>) src(%arg9 : memref<128x128xf32, #tpu.memory_space<vmem>>) dst(%dma_wait3A_77 : memref<10112x128xf32, #tpu.memory_space<vmem_shared>>)
        tpu.yield
      }) : () -> ()
      %add3A_49 = arith.constant 2 : i32
      %add3A_50 = arith.addi %mul3A_42, %add3A_49 : i32
      %lt3A = arith.constant 40 : i32
      %lt3A_51 = arith.cmpi slt, %add3A_50, %lt3A : i32
      %convert_element_type3A = arith.extui %lt3A_51 : i1 to i32
      %cond3A = arith.constant 0 : i32
      %cond3A_52 = arith.cmpi ne, %convert_element_type3A, %cond3A : i32
      scf.if %cond3A_52 {
        %add3A_66 = arith.constant 2 : i32
        %add3A_67 = arith.addi %mul3A_42, %add3A_66 : i32
        %dma_start3A_68 = arith.constant 0 : i32
        %dma_start3A_69 = tpu.memref_slice %arg7[%add3A_67, %dma_start3A_68] : memref<40x128xi32, #tpu.memory_space<vmem>> -> memref<1x128xi32, #tpu.memory_space<vmem>>
        %dma_start3A_70 = tpu.memref_squeeze %dma_start3A_69 : memref<1x128xi32, #tpu.memory_space<vmem>> -> memref<128xi32, #tpu.memory_space<vmem>>
        %dma_start3A_71 = arith.constant 0 : i32
        %dma_start3A_72 = arith.constant 0 : i32
        %dma_start3A_73 = tpu.memref_slice %arg2[%dma_start3A_71, %dma_start3A_72] : memref<20000x128xf32, #tpu.memory_space<hbm>> -> memref<20000x128xf32, #tpu.memory_space<hbm>>
        tpu.enqueue_indirect_dma source(%dma_start3A_73 : memref<20000x128xf32, #tpu.memory_space<hbm>>) target(%arg9 : memref<128x128xf32, #tpu.memory_space<vmem>>) offsets(%dma_start3A_70 : memref<128xi32, #tpu.memory_space<vmem>>) semaphore(%arg12 : memref<!tpu.dma_semaphore, #tpu.memory_space<semaphore_mem>>)
      } else {
      }
      %dma_wait3A_53 = arith.constant 0 : i32
      %dma_wait3A_54 = tpu.memref_slice %arg7[%add3A_43, %dma_wait3A_53] : memref<40x128xi32, #tpu.memory_space<vmem>> -> memref<1x128xi32, #tpu.memory_space<vmem>>
      %dma_wait3A_55 = tpu.memref_squeeze %dma_wait3A_54 : memref<1x128xi32, #tpu.memory_space<vmem>> -> memref<128xi32, #tpu.memory_space<vmem>>
      %dma_wait3A_56 = arith.constant 0 : i32
      %dma_wait3A_57 = arith.constant 0 : i32
      %dma_wait3A_58 = tpu.memref_slice %arg2[%dma_wait3A_56, %dma_wait3A_57] : memref<20000x128xf32, #tpu.memory_space<hbm>> -> memref<20000x128xf32, #tpu.memory_space<hbm>>
      tpu.wait_indirect_dma semaphore(%arg13 : memref<!tpu.dma_semaphore, #tpu.memory_space<semaphore_mem>>) src(%dma_wait3A_58 : memref<20000x128xf32, #tpu.memory_space<hbm>>) dst(%arg10 : memref<128x128xf32, #tpu.memory_space<vmem>>)
      "tpu.region"() ({
        %run_scoped3A = tpu.sem_alloc : memref<!tpu.dma_semaphore, #tpu.memory_space<semaphore_mem>>
        %dma_start3A_66 = arith.constant 0 : i32
        %dma_start3A_67 = tpu.memref_slice %arg8[%add3A_43, %dma_start3A_66] : memref<40x128xi32, #tpu.memory_space<vmem>> -> memref<1x128xi32, #tpu.memory_space<vmem>>
        %dma_start3A_68 = tpu.memref_squeeze %dma_start3A_67 : memref<1x128xi32, #tpu.memory_space<vmem>> -> memref<128xi32, #tpu.memory_space<vmem>>
        %dma_start3A_69 = arith.constant 0 : i32
        %dma_start3A_70 = arith.constant 0 : i32
        %dma_start3A_71 = tpu.memref_slice %arg11[%dma_start3A_69, %dma_start3A_70] : memref<10112x128xf32, #tpu.memory_space<vmem_shared>> -> memref<10112x128xf32, #tpu.memory_space<vmem_shared>>
        tpu.enqueue_indirect_dma source(%arg10 : memref<128x128xf32, #tpu.memory_space<vmem>>) target(%dma_start3A_71 : memref<10112x128xf32, #tpu.memory_space<vmem_shared>>) offsets(%dma_start3A_68 : memref<128xi32, #tpu.memory_space<vmem>>) semaphore(%run_scoped3A : memref<!tpu.dma_semaphore, #tpu.memory_space<semaphore_mem>>) {add = true}
        %dma_wait3A_72 = arith.constant 0 : i32
        %dma_wait3A_73 = tpu.memref_slice %arg8[%add3A_43, %dma_wait3A_72] : memref<40x128xi32, #tpu.memory_space<vmem>> -> memref<1x128xi32, #tpu.memory_space<vmem>>
        %dma_wait3A_74 = tpu.memref_squeeze %dma_wait3A_73 : memref<1x128xi32, #tpu.memory_space<vmem>> -> memref<128xi32, #tpu.memory_space<vmem>>
        %dma_wait3A_75 = arith.constant 0 : i32
        %dma_wait3A_76 = arith.constant 0 : i32
        %dma_wait3A_77 = tpu.memref_slice %arg11[%dma_wait3A_75, %dma_wait3A_76] : memref<10112x128xf32, #tpu.memory_space<vmem_shared>> -> memref<10112x128xf32, #tpu.memory_space<vmem_shared>>
        tpu.wait_indirect_dma semaphore(%run_scoped3A : memref<!tpu.dma_semaphore, #tpu.memory_space<semaphore_mem>>) src(%arg10 : memref<128x128xf32, #tpu.memory_space<vmem>>) dst(%dma_wait3A_77 : memref<10112x128xf32, #tpu.memory_space<vmem_shared>>)
        tpu.yield
      }) : () -> ()
      %add3A_59 = arith.constant 2 : i32
      %add3A_60 = arith.addi %add3A_43, %add3A_59 : i32
      %lt3A_61 = arith.constant 40 : i32
      %lt3A_62 = arith.cmpi slt, %add3A_60, %lt3A_61 : i32
      %convert_element_type3A_63 = arith.extui %lt3A_62 : i1 to i32
      %cond3A_64 = arith.constant 0 : i32
      %cond3A_65 = arith.cmpi ne, %convert_element_type3A_63, %cond3A_64 : i32
      scf.if %cond3A_65 {
        %add3A_66 = arith.constant 2 : i32
        %add3A_67 = arith.addi %add3A_43, %add3A_66 : i32
        %dma_start3A_68 = arith.constant 0 : i32
        %dma_start3A_69 = tpu.memref_slice %arg7[%add3A_67, %dma_start3A_68] : memref<40x128xi32, #tpu.memory_space<vmem>> -> memref<1x128xi32, #tpu.memory_space<vmem>>
        %dma_start3A_70 = tpu.memref_squeeze %dma_start3A_69 : memref<1x128xi32, #tpu.memory_space<vmem>> -> memref<128xi32, #tpu.memory_space<vmem>>
        %dma_start3A_71 = arith.constant 0 : i32
        %dma_start3A_72 = arith.constant 0 : i32
        %dma_start3A_73 = tpu.memref_slice %arg2[%dma_start3A_71, %dma_start3A_72] : memref<20000x128xf32, #tpu.memory_space<hbm>> -> memref<20000x128xf32, #tpu.memory_space<hbm>>
        tpu.enqueue_indirect_dma source(%dma_start3A_73 : memref<20000x128xf32, #tpu.memory_space<hbm>>) target(%arg10 : memref<128x128xf32, #tpu.memory_space<vmem>>) offsets(%dma_start3A_70 : memref<128xi32, #tpu.memory_space<vmem>>) semaphore(%arg13 : memref<!tpu.dma_semaphore, #tpu.memory_space<semaphore_mem>>)
      } else {
      }
    }
    %scan3A_38 = arith.constant 20 : i32
    %barrier3A_39 = arith.constant 0 : index
    tpu.barrier barrier_id(%barrier3A_39)
    "tpu.region"() ({
      %run_scoped3A = tpu.sem_alloc : memref<!tpu.dma_semaphore, #tpu.memory_space<semaphore_mem>>
      %dma_start3A_40 = arith.constant 0 : i32
      %dma_start3A_41 = tpu.memref_slice %arg6[%arg0, %mul3A_0, %dma_start3A_40] : memref<2x10112x128xf32, #tpu.memory_space<hbm>> -> memref<1x632x128xf32, #tpu.memory_space<hbm>>
      %dma_start3A_42 = tpu.memref_squeeze %dma_start3A_41 : memref<1x632x128xf32, #tpu.memory_space<hbm>> -> memref<632x128xf32, #tpu.memory_space<hbm>>
      %dma_start3A_43 = arith.constant 0 : i32
      %dma_start3A_44 = tpu.memref_slice %arg11[%mul3A_0, %dma_start3A_43] : memref<10112x128xf32, #tpu.memory_space<vmem_shared>> -> memref<632x128xf32, #tpu.memory_space<vmem_shared>>
      tpu.enqueue_dma source(%dma_start3A_44 : memref<632x128xf32, #tpu.memory_space<vmem_shared>>) target(%dma_start3A_42 : memref<632x128xf32, #tpu.memory_space<hbm>>) target_semaphore(%run_scoped3A : memref<!tpu.dma_semaphore, #tpu.memory_space<semaphore_mem>>)
      %dma_wait3A = arith.constant 0 : i32
      %dma_wait3A_45 = tpu.memref_slice %arg6[%arg0, %mul3A_0, %dma_wait3A] : memref<2x10112x128xf32, #tpu.memory_space<hbm>> -> memref<1x632x128xf32, #tpu.memory_space<hbm>>
      %dma_wait3A_46 = tpu.memref_squeeze %dma_wait3A_45 : memref<1x632x128xf32, #tpu.memory_space<hbm>> -> memref<632x128xf32, #tpu.memory_space<hbm>>
      %dma_wait3A_47 = arith.constant 0 : i32
      %dma_wait3A_48 = tpu.memref_slice %arg11[%mul3A_0, %dma_wait3A_47] : memref<10112x128xf32, #tpu.memory_space<vmem_shared>> -> memref<632x128xf32, #tpu.memory_space<vmem_shared>>
      tpu.wait_dma2 semaphore(%run_scoped3A : memref<!tpu.dma_semaphore, #tpu.memory_space<semaphore_mem>>) src(%dma_wait3A_48 : memref<632x128xf32, #tpu.memory_space<vmem_shared>>) dst(%dma_wait3A_46 : memref<632x128xf32, #tpu.memory_space<hbm>>)
      tpu.yield
    }) : () -> ()
    return
  }
}

#map = affine_map<(d0, d1) -> (0, 0)>
#map1 = affine_map<(d0, d1) -> (0, 0, 0, 0)>
#map2 = affine_map<(d0, d1) -> (0, 0, 0)>
module attributes {stable_mosaic.version = 14 : i64} {
  func.func @body(%arg0: i32, %arg1: i32, %arg2: memref<10000x128xf32, #tpu.memory_space<hbm>>, %arg3: memref<2x16x40x128xi32, #tpu.memory_space<hbm>>, %arg4: memref<2x16x40x128xi32, #tpu.memory_space<hbm>>, %arg5: memref<10112x128xf32, #tpu.memory_space<hbm>>, %arg6: memref<2x10112x128xf32, #tpu.memory_space<hbm>>, %arg7: memref<40x128xi32, #tpu.memory_space<vmem>>, %arg8: memref<40x128xi32, #tpu.memory_space<vmem>>, %arg9: memref<128x128xf32, #tpu.memory_space<vmem>>, %arg10: memref<128x128xf32, #tpu.memory_space<vmem>>, %arg11: memref<10112x128xf32, #tpu.memory_space<vmem_shared>>, %arg12: memref<!tpu.dma_semaphore, #tpu.memory_space<semaphore_mem>>, %arg13: memref<!tpu.dma_semaphore, #tpu.memory_space<semaphore_mem>>) attributes {dimension_semantics = [#tpu.dimension_semantics<core_parallel>, #tpu.dimension_semantics<subcore_parallel>], iteration_bounds = array<i64: 2, 16>, scalar_prefetch = 0 : i64, scratch_operands = 7 : i64, tpu.core_type = #tpu.core_type<sc_vector_subcore>, window_params = [{transform_indices = #map}, {transform_indices = #map1}, {transform_indices = #map1}, {transform_indices = #map}, {transform_indices = #map2}]} {
    %mul3A = arith.constant 632 : i32
    %mul3A_0 = arith.muli %arg1, %mul3A : i32
    "tpu.region"() ({
      %run_scoped3A = tpu.sem_alloc : memref<!tpu.dma_semaphore, #tpu.memory_space<semaphore_mem>>
      %dma_start3A_20 = arith.constant 0 : i32
      %dma_start3A_21 = arith.constant 0 : i32
      %dma_start3A_22 = tpu.memref_slice %arg3[%arg0, %arg1, %dma_start3A_20, %dma_start3A_21] : memref<2x16x40x128xi32, #tpu.memory_space<hbm>> -> memref<1x1x40x128xi32, #tpu.memory_space<hbm>>
      %dma_start3A_23 = tpu.memref_squeeze %dma_start3A_22 : memref<1x1x40x128xi32, #tpu.memory_space<hbm>> -> memref<40x128xi32, #tpu.memory_space<hbm>>
      %dma_start3A_24 = arith.constant 0 : i32
      %dma_start3A_25 = arith.constant 0 : i32
      %dma_start3A_26 = tpu.memref_slice %arg3[%arg0, %arg1, %dma_start3A_24, %dma_start3A_25] : memref<2x16x40x128xi32, #tpu.memory_space<hbm>> -> memref<1x1x40x128xi32, #tpu.memory_space<hbm>>
      %dma_start3A_27 = tpu.memref_squeeze %dma_start3A_26 : memref<1x1x40x128xi32, #tpu.memory_space<hbm>> -> memref<40x128xi32, #tpu.memory_space<hbm>>
      tpu.enqueue_dma source(%dma_start3A_27 : memref<40x128xi32, #tpu.memory_space<hbm>>) target(%arg7 : memref<40x128xi32, #tpu.memory_space<vmem>>) target_semaphore(%run_scoped3A : memref<!tpu.dma_semaphore, #tpu.memory_space<semaphore_mem>>)
      %dma_wait3A = arith.constant 0 : i32
      %dma_wait3A_28 = arith.constant 0 : i32
      %dma_wait3A_29 = tpu.memref_slice %arg3[%arg0, %arg1, %dma_wait3A, %dma_wait3A_28] : memref<2x16x40x128xi32, #tpu.memory_space<hbm>> -> memref<1x1x40x128xi32, #tpu.memory_space<hbm>>
      %dma_wait3A_30 = tpu.memref_squeeze %dma_wait3A_29 : memref<1x1x40x128xi32, #tpu.memory_space<hbm>> -> memref<40x128xi32, #tpu.memory_space<hbm>>
      %dma_wait3A_31 = arith.constant 0 : i32
      %dma_wait3A_32 = arith.constant 0 : i32
      %dma_wait3A_33 = tpu.memref_slice %arg3[%arg0, %arg1, %dma_wait3A_31, %dma_wait3A_32] : memref<2x16x40x128xi32, #tpu.memory_space<hbm>> -> memref<1x1x40x128xi32, #tpu.memory_space<hbm>>
      %dma_wait3A_34 = tpu.memref_squeeze %dma_wait3A_33 : memref<1x1x40x128xi32, #tpu.memory_space<hbm>> -> memref<40x128xi32, #tpu.memory_space<hbm>>
      tpu.wait_dma2 semaphore(%run_scoped3A : memref<!tpu.dma_semaphore, #tpu.memory_space<semaphore_mem>>) src(%dma_wait3A_34 : memref<40x128xi32, #tpu.memory_space<hbm>>) dst(%arg7 : memref<40x128xi32, #tpu.memory_space<vmem>>)
      tpu.yield
    }) : () -> ()
    "tpu.region"() ({
      %run_scoped3A = tpu.sem_alloc : memref<!tpu.dma_semaphore, #tpu.memory_space<semaphore_mem>>
      %dma_start3A_20 = arith.constant 0 : i32
      %dma_start3A_21 = arith.constant 0 : i32
      %dma_start3A_22 = tpu.memref_slice %arg4[%arg0, %arg1, %dma_start3A_20, %dma_start3A_21] : memref<2x16x40x128xi32, #tpu.memory_space<hbm>> -> memref<1x1x40x128xi32, #tpu.memory_space<hbm>>
      %dma_start3A_23 = tpu.memref_squeeze %dma_start3A_22 : memref<1x1x40x128xi32, #tpu.memory_space<hbm>> -> memref<40x128xi32, #tpu.memory_space<hbm>>
      %dma_start3A_24 = arith.constant 0 : i32
      %dma_start3A_25 = arith.constant 0 : i32
      %dma_start3A_26 = tpu.memref_slice %arg4[%arg0, %arg1, %dma_start3A_24, %dma_start3A_25] : memref<2x16x40x128xi32, #tpu.memory_space<hbm>> -> memref<1x1x40x128xi32, #tpu.memory_space<hbm>>
      %dma_start3A_27 = tpu.memref_squeeze %dma_start3A_26 : memref<1x1x40x128xi32, #tpu.memory_space<hbm>> -> memref<40x128xi32, #tpu.memory_space<hbm>>
      tpu.enqueue_dma source(%dma_start3A_27 : memref<40x128xi32, #tpu.memory_space<hbm>>) target(%arg8 : memref<40x128xi32, #tpu.memory_space<vmem>>) target_semaphore(%run_scoped3A : memref<!tpu.dma_semaphore, #tpu.memory_space<semaphore_mem>>)
      %dma_wait3A = arith.constant 0 : i32
      %dma_wait3A_28 = arith.constant 0 : i32
      %dma_wait3A_29 = tpu.memref_slice %arg4[%arg0, %arg1, %dma_wait3A, %dma_wait3A_28] : memref<2x16x40x128xi32, #tpu.memory_space<hbm>> -> memref<1x1x40x128xi32, #tpu.memory_space<hbm>>
      %dma_wait3A_30 = tpu.memref_squeeze %dma_wait3A_29 : memref<1x1x40x128xi32, #tpu.memory_space<hbm>> -> memref<40x128xi32, #tpu.memory_space<hbm>>
      %dma_wait3A_31 = arith.constant 0 : i32
      %dma_wait3A_32 = arith.constant 0 : i32
      %dma_wait3A_33 = tpu.memref_slice %arg4[%arg0, %arg1, %dma_wait3A_31, %dma_wait3A_32] : memref<2x16x40x128xi32, #tpu.memory_space<hbm>> -> memref<1x1x40x128xi32, #tpu.memory_space<hbm>>
      %dma_wait3A_34 = tpu.memref_squeeze %dma_wait3A_33 : memref<1x1x40x128xi32, #tpu.memory_space<hbm>> -> memref<40x128xi32, #tpu.memory_space<hbm>>
      tpu.wait_dma2 semaphore(%run_scoped3A : memref<!tpu.dma_semaphore, #tpu.memory_space<semaphore_mem>>) src(%dma_wait3A_34 : memref<40x128xi32, #tpu.memory_space<hbm>>) dst(%arg8 : memref<40x128xi32, #tpu.memory_space<vmem>>)
      tpu.yield
    }) : () -> ()
    %dma_start3A = arith.constant 0 : i32
    %dma_start3A_1 = arith.constant 0 : i32
    %dma_start3A_2 = tpu.memref_slice %arg7[%dma_start3A, %dma_start3A_1] : memref<40x128xi32, #tpu.memory_space<vmem>> -> memref<1x128xi32, #tpu.memory_space<vmem>>
    %dma_start3A_3 = tpu.memref_squeeze %dma_start3A_2 : memref<1x128xi32, #tpu.memory_space<vmem>> -> memref<128xi32, #tpu.memory_space<vmem>>
    %dma_start3A_4 = arith.constant 0 : i32
    %dma_start3A_5 = arith.constant 0 : i32
    %dma_start3A_6 = tpu.memref_slice %arg2[%dma_start3A_4, %dma_start3A_5] : memref<10000x128xf32, #tpu.memory_space<hbm>> -> memref<10000x128xf32, #tpu.memory_space<hbm>>
    tpu.enqueue_indirect_dma source(%dma_start3A_6 : memref<10000x128xf32, #tpu.memory_space<hbm>>) target(%arg9 : memref<128x128xf32, #tpu.memory_space<vmem>>) offsets(%dma_start3A_3 : memref<128xi32, #tpu.memory_space<vmem>>) semaphore(%arg12 : memref<!tpu.dma_semaphore, #tpu.memory_space<semaphore_mem>>)
    %dma_start3A_7 = arith.constant 1 : i32
    %dma_start3A_8 = arith.constant 0 : i32
    %dma_start3A_9 = tpu.memref_slice %arg7[%dma_start3A_7, %dma_start3A_8] : memref<40x128xi32, #tpu.memory_space<vmem>> -> memref<1x128xi32, #tpu.memory_space<vmem>>
    %dma_start3A_10 = tpu.memref_squeeze %dma_start3A_9 : memref<1x128xi32, #tpu.memory_space<vmem>> -> memref<128xi32, #tpu.memory_space<vmem>>
    %dma_start3A_11 = arith.constant 0 : i32
    %dma_start3A_12 = arith.constant 0 : i32
    %dma_start3A_13 = tpu.memref_slice %arg2[%dma_start3A_11, %dma_start3A_12] : memref<10000x128xf32, #tpu.memory_space<hbm>> -> memref<10000x128xf32, #tpu.memory_space<hbm>>
    tpu.enqueue_indirect_dma source(%dma_start3A_13 : memref<10000x128xf32, #tpu.memory_space<hbm>>) target(%arg10 : memref<128x128xf32, #tpu.memory_space<vmem>>) offsets(%dma_start3A_10 : memref<128xi32, #tpu.memory_space<vmem>>) semaphore(%arg13 : memref<!tpu.dma_semaphore, #tpu.memory_space<semaphore_mem>>)
    "tpu.region"() ({
      %run_scoped3A = tpu.sem_alloc : memref<!tpu.dma_semaphore, #tpu.memory_space<semaphore_mem>>
      %dma_start3A_20 = arith.constant 0 : i32
      %dma_start3A_21 = tpu.memref_slice %arg11[%mul3A_0, %dma_start3A_20] : memref<10112x128xf32, #tpu.memory_space<vmem_shared>> -> memref<632x128xf32, #tpu.memory_space<vmem_shared>>
      %dma_start3A_22 = arith.constant 0 : i32
      %dma_start3A_23 = tpu.memref_slice %arg5[%mul3A_0, %dma_start3A_22] : memref<10112x128xf32, #tpu.memory_space<hbm>> -> memref<632x128xf32, #tpu.memory_space<hbm>>
      tpu.enqueue_dma source(%dma_start3A_23 : memref<632x128xf32, #tpu.memory_space<hbm>>) target(%dma_start3A_21 : memref<632x128xf32, #tpu.memory_space<vmem_shared>>) target_semaphore(%run_scoped3A : memref<!tpu.dma_semaphore, #tpu.memory_space<semaphore_mem>>)
      %dma_wait3A = arith.constant 0 : i32
      %dma_wait3A_24 = tpu.memref_slice %arg11[%mul3A_0, %dma_wait3A] : memref<10112x128xf32, #tpu.memory_space<vmem_shared>> -> memref<632x128xf32, #tpu.memory_space<vmem_shared>>
      %dma_wait3A_25 = arith.constant 0 : i32
      %dma_wait3A_26 = tpu.memref_slice %arg5[%mul3A_0, %dma_wait3A_25] : memref<10112x128xf32, #tpu.memory_space<hbm>> -> memref<632x128xf32, #tpu.memory_space<hbm>>
      tpu.wait_dma2 semaphore(%run_scoped3A : memref<!tpu.dma_semaphore, #tpu.memory_space<semaphore_mem>>) src(%dma_wait3A_26 : memref<632x128xf32, #tpu.memory_space<hbm>>) dst(%dma_wait3A_24 : memref<632x128xf32, #tpu.memory_space<vmem_shared>>)
      tpu.yield
    }) : () -> ()
    %barrier3A = arith.constant 0 : index
    tpu.barrier barrier_id(%barrier3A)
    %scan3A = arith.constant 0 : i32
    %scan3A_14 = arith.constant 0 : i32
    %scan3A_15 = arith.constant 20 : i32
    %scan3A_16 = arith.addi %scan3A_14, %scan3A_15 : i32
    %scan3A_17 = arith.constant 1 : i32
    scf.for %scan3A_20 = %scan3A_14 to %scan3A_16 step %scan3A_17  : i32 {
      %mul3A_21 = arith.constant 2 : i32
      %mul3A_22 = arith.muli %mul3A_21, %scan3A_20 : i32
      %add3A = arith.constant 1 : i32
      %add3A_23 = arith.addi %mul3A_22, %add3A : i32
      %dma_wait3A = arith.constant 0 : i32
      %dma_wait3A_24 = tpu.memref_slice %arg7[%mul3A_22, %dma_wait3A] : memref<40x128xi32, #tpu.memory_space<vmem>> -> memref<1x128xi32, #tpu.memory_space<vmem>>
      %dma_wait3A_25 = tpu.memref_squeeze %dma_wait3A_24 : memref<1x128xi32, #tpu.memory_space<vmem>> -> memref<128xi32, #tpu.memory_space<vmem>>
      %dma_wait3A_26 = arith.constant 0 : i32
      %dma_wait3A_27 = arith.constant 0 : i32
      %dma_wait3A_28 = tpu.memref_slice %arg2[%dma_wait3A_26, %dma_wait3A_27] : memref<10000x128xf32, #tpu.memory_space<hbm>> -> memref<10000x128xf32, #tpu.memory_space<hbm>>
      tpu.wait_indirect_dma semaphore(%arg12 : memref<!tpu.dma_semaphore, #tpu.memory_space<semaphore_mem>>) src(%dma_wait3A_28 : memref<10000x128xf32, #tpu.memory_space<hbm>>) dst(%arg9 : memref<128x128xf32, #tpu.memory_space<vmem>>)
      "tpu.region"() ({
        %run_scoped3A = tpu.sem_alloc : memref<!tpu.dma_semaphore, #tpu.memory_space<semaphore_mem>>
        %dma_start3A_46 = arith.constant 0 : i32
        %dma_start3A_47 = tpu.memref_slice %arg8[%mul3A_22, %dma_start3A_46] : memref<40x128xi32, #tpu.memory_space<vmem>> -> memref<1x128xi32, #tpu.memory_space<vmem>>
        %dma_start3A_48 = tpu.memref_squeeze %dma_start3A_47 : memref<1x128xi32, #tpu.memory_space<vmem>> -> memref<128xi32, #tpu.memory_space<vmem>>
        %dma_start3A_49 = arith.constant 0 : i32
        %dma_start3A_50 = arith.constant 0 : i32
        %dma_start3A_51 = tpu.memref_slice %arg11[%dma_start3A_49, %dma_start3A_50] : memref<10112x128xf32, #tpu.memory_space<vmem_shared>> -> memref<10112x128xf32, #tpu.memory_space<vmem_shared>>
        tpu.enqueue_indirect_dma source(%arg9 : memref<128x128xf32, #tpu.memory_space<vmem>>) target(%dma_start3A_51 : memref<10112x128xf32, #tpu.memory_space<vmem_shared>>) offsets(%dma_start3A_48 : memref<128xi32, #tpu.memory_space<vmem>>) semaphore(%run_scoped3A : memref<!tpu.dma_semaphore, #tpu.memory_space<semaphore_mem>>) {add = true}
        %dma_wait3A_52 = arith.constant 0 : i32
        %dma_wait3A_53 = tpu.memref_slice %arg8[%mul3A_22, %dma_wait3A_52] : memref<40x128xi32, #tpu.memory_space<vmem>> -> memref<1x128xi32, #tpu.memory_space<vmem>>
        %dma_wait3A_54 = tpu.memref_squeeze %dma_wait3A_53 : memref<1x128xi32, #tpu.memory_space<vmem>> -> memref<128xi32, #tpu.memory_space<vmem>>
        %dma_wait3A_55 = arith.constant 0 : i32
        %dma_wait3A_56 = arith.constant 0 : i32
        %dma_wait3A_57 = tpu.memref_slice %arg11[%dma_wait3A_55, %dma_wait3A_56] : memref<10112x128xf32, #tpu.memory_space<vmem_shared>> -> memref<10112x128xf32, #tpu.memory_space<vmem_shared>>
        tpu.wait_indirect_dma semaphore(%run_scoped3A : memref<!tpu.dma_semaphore, #tpu.memory_space<semaphore_mem>>) src(%arg9 : memref<128x128xf32, #tpu.memory_space<vmem>>) dst(%dma_wait3A_57 : memref<10112x128xf32, #tpu.memory_space<vmem_shared>>)
        tpu.yield
      }) : () -> ()
      %add3A_29 = arith.constant 2 : i32
      %add3A_30 = arith.addi %mul3A_22, %add3A_29 : i32
      %lt3A = arith.constant 40 : i32
      %lt3A_31 = arith.cmpi slt, %add3A_30, %lt3A : i32
      %convert_element_type3A = arith.extui %lt3A_31 : i1 to i32
      %cond3A = arith.constant 0 : i32
      %cond3A_32 = arith.cmpi ne, %convert_element_type3A, %cond3A : i32
      scf.if %cond3A_32 {
        %add3A_46 = arith.constant 2 : i32
        %add3A_47 = arith.addi %mul3A_22, %add3A_46 : i32
        %dma_start3A_48 = arith.constant 0 : i32
        %dma_start3A_49 = tpu.memref_slice %arg7[%add3A_47, %dma_start3A_48] : memref<40x128xi32, #tpu.memory_space<vmem>> -> memref<1x128xi32, #tpu.memory_space<vmem>>
        %dma_start3A_50 = tpu.memref_squeeze %dma_start3A_49 : memref<1x128xi32, #tpu.memory_space<vmem>> -> memref<128xi32, #tpu.memory_space<vmem>>
        %dma_start3A_51 = arith.constant 0 : i32
        %dma_start3A_52 = arith.constant 0 : i32
        %dma_start3A_53 = tpu.memref_slice %arg2[%dma_start3A_51, %dma_start3A_52] : memref<10000x128xf32, #tpu.memory_space<hbm>> -> memref<10000x128xf32, #tpu.memory_space<hbm>>
        tpu.enqueue_indirect_dma source(%dma_start3A_53 : memref<10000x128xf32, #tpu.memory_space<hbm>>) target(%arg9 : memref<128x128xf32, #tpu.memory_space<vmem>>) offsets(%dma_start3A_50 : memref<128xi32, #tpu.memory_space<vmem>>) semaphore(%arg12 : memref<!tpu.dma_semaphore, #tpu.memory_space<semaphore_mem>>)
      } else {
      }
      %dma_wait3A_33 = arith.constant 0 : i32
      %dma_wait3A_34 = tpu.memref_slice %arg7[%add3A_23, %dma_wait3A_33] : memref<40x128xi32, #tpu.memory_space<vmem>> -> memref<1x128xi32, #tpu.memory_space<vmem>>
      %dma_wait3A_35 = tpu.memref_squeeze %dma_wait3A_34 : memref<1x128xi32, #tpu.memory_space<vmem>> -> memref<128xi32, #tpu.memory_space<vmem>>
      %dma_wait3A_36 = arith.constant 0 : i32
      %dma_wait3A_37 = arith.constant 0 : i32
      %dma_wait3A_38 = tpu.memref_slice %arg2[%dma_wait3A_36, %dma_wait3A_37] : memref<10000x128xf32, #tpu.memory_space<hbm>> -> memref<10000x128xf32, #tpu.memory_space<hbm>>
      tpu.wait_indirect_dma semaphore(%arg13 : memref<!tpu.dma_semaphore, #tpu.memory_space<semaphore_mem>>) src(%dma_wait3A_38 : memref<10000x128xf32, #tpu.memory_space<hbm>>) dst(%arg10 : memref<128x128xf32, #tpu.memory_space<vmem>>)
      "tpu.region"() ({
        %run_scoped3A = tpu.sem_alloc : memref<!tpu.dma_semaphore, #tpu.memory_space<semaphore_mem>>
        %dma_start3A_46 = arith.constant 0 : i32
        %dma_start3A_47 = tpu.memref_slice %arg8[%add3A_23, %dma_start3A_46] : memref<40x128xi32, #tpu.memory_space<vmem>> -> memref<1x128xi32, #tpu.memory_space<vmem>>
        %dma_start3A_48 = tpu.memref_squeeze %dma_start3A_47 : memref<1x128xi32, #tpu.memory_space<vmem>> -> memref<128xi32, #tpu.memory_space<vmem>>
        %dma_start3A_49 = arith.constant 0 : i32
        %dma_start3A_50 = arith.constant 0 : i32
        %dma_start3A_51 = tpu.memref_slice %arg11[%dma_start3A_49, %dma_start3A_50] : memref<10112x128xf32, #tpu.memory_space<vmem_shared>> -> memref<10112x128xf32, #tpu.memory_space<vmem_shared>>
        tpu.enqueue_indirect_dma source(%arg10 : memref<128x128xf32, #tpu.memory_space<vmem>>) target(%dma_start3A_51 : memref<10112x128xf32, #tpu.memory_space<vmem_shared>>) offsets(%dma_start3A_48 : memref<128xi32, #tpu.memory_space<vmem>>) semaphore(%run_scoped3A : memref<!tpu.dma_semaphore, #tpu.memory_space<semaphore_mem>>) {add = true}
        %dma_wait3A_52 = arith.constant 0 : i32
        %dma_wait3A_53 = tpu.memref_slice %arg8[%add3A_23, %dma_wait3A_52] : memref<40x128xi32, #tpu.memory_space<vmem>> -> memref<1x128xi32, #tpu.memory_space<vmem>>
        %dma_wait3A_54 = tpu.memref_squeeze %dma_wait3A_53 : memref<1x128xi32, #tpu.memory_space<vmem>> -> memref<128xi32, #tpu.memory_space<vmem>>
        %dma_wait3A_55 = arith.constant 0 : i32
        %dma_wait3A_56 = arith.constant 0 : i32
        %dma_wait3A_57 = tpu.memref_slice %arg11[%dma_wait3A_55, %dma_wait3A_56] : memref<10112x128xf32, #tpu.memory_space<vmem_shared>> -> memref<10112x128xf32, #tpu.memory_space<vmem_shared>>
        tpu.wait_indirect_dma semaphore(%run_scoped3A : memref<!tpu.dma_semaphore, #tpu.memory_space<semaphore_mem>>) src(%arg10 : memref<128x128xf32, #tpu.memory_space<vmem>>) dst(%dma_wait3A_57 : memref<10112x128xf32, #tpu.memory_space<vmem_shared>>)
        tpu.yield
      }) : () -> ()
      %add3A_39 = arith.constant 2 : i32
      %add3A_40 = arith.addi %add3A_23, %add3A_39 : i32
      %lt3A_41 = arith.constant 40 : i32
      %lt3A_42 = arith.cmpi slt, %add3A_40, %lt3A_41 : i32
      %convert_element_type3A_43 = arith.extui %lt3A_42 : i1 to i32
      %cond3A_44 = arith.constant 0 : i32
      %cond3A_45 = arith.cmpi ne, %convert_element_type3A_43, %cond3A_44 : i32
      scf.if %cond3A_45 {
        %add3A_46 = arith.constant 2 : i32
        %add3A_47 = arith.addi %add3A_23, %add3A_46 : i32
        %dma_start3A_48 = arith.constant 0 : i32
        %dma_start3A_49 = tpu.memref_slice %arg7[%add3A_47, %dma_start3A_48] : memref<40x128xi32, #tpu.memory_space<vmem>> -> memref<1x128xi32, #tpu.memory_space<vmem>>
        %dma_start3A_50 = tpu.memref_squeeze %dma_start3A_49 : memref<1x128xi32, #tpu.memory_space<vmem>> -> memref<128xi32, #tpu.memory_space<vmem>>
        %dma_start3A_51 = arith.constant 0 : i32
        %dma_start3A_52 = arith.constant 0 : i32
        %dma_start3A_53 = tpu.memref_slice %arg2[%dma_start3A_51, %dma_start3A_52] : memref<10000x128xf32, #tpu.memory_space<hbm>> -> memref<10000x128xf32, #tpu.memory_space<hbm>>
        tpu.enqueue_indirect_dma source(%dma_start3A_53 : memref<10000x128xf32, #tpu.memory_space<hbm>>) target(%arg10 : memref<128x128xf32, #tpu.memory_space<vmem>>) offsets(%dma_start3A_50 : memref<128xi32, #tpu.memory_space<vmem>>) semaphore(%arg13 : memref<!tpu.dma_semaphore, #tpu.memory_space<semaphore_mem>>)
      } else {
      }
    }
    %scan3A_18 = arith.constant 20 : i32
    %barrier3A_19 = arith.constant 0 : index
    tpu.barrier barrier_id(%barrier3A_19)
    "tpu.region"() ({
      %run_scoped3A = tpu.sem_alloc : memref<!tpu.dma_semaphore, #tpu.memory_space<semaphore_mem>>
      %dma_start3A_20 = arith.constant 0 : i32
      %dma_start3A_21 = tpu.memref_slice %arg6[%arg0, %mul3A_0, %dma_start3A_20] : memref<2x10112x128xf32, #tpu.memory_space<hbm>> -> memref<1x632x128xf32, #tpu.memory_space<hbm>>
      %dma_start3A_22 = tpu.memref_squeeze %dma_start3A_21 : memref<1x632x128xf32, #tpu.memory_space<hbm>> -> memref<632x128xf32, #tpu.memory_space<hbm>>
      %dma_start3A_23 = arith.constant 0 : i32
      %dma_start3A_24 = tpu.memref_slice %arg11[%mul3A_0, %dma_start3A_23] : memref<10112x128xf32, #tpu.memory_space<vmem_shared>> -> memref<632x128xf32, #tpu.memory_space<vmem_shared>>
      tpu.enqueue_dma source(%dma_start3A_24 : memref<632x128xf32, #tpu.memory_space<vmem_shared>>) target(%dma_start3A_22 : memref<632x128xf32, #tpu.memory_space<hbm>>) target_semaphore(%run_scoped3A : memref<!tpu.dma_semaphore, #tpu.memory_space<semaphore_mem>>)
      %dma_wait3A = arith.constant 0 : i32
      %dma_wait3A_25 = tpu.memref_slice %arg6[%arg0, %mul3A_0, %dma_wait3A] : memref<2x10112x128xf32, #tpu.memory_space<hbm>> -> memref<1x632x128xf32, #tpu.memory_space<hbm>>
      %dma_wait3A_26 = tpu.memref_squeeze %dma_wait3A_25 : memref<1x632x128xf32, #tpu.memory_space<hbm>> -> memref<632x128xf32, #tpu.memory_space<hbm>>
      %dma_wait3A_27 = arith.constant 0 : i32
      %dma_wait3A_28 = tpu.memref_slice %arg11[%mul3A_0, %dma_wait3A_27] : memref<10112x128xf32, #tpu.memory_space<vmem_shared>> -> memref<632x128xf32, #tpu.memory_space<vmem_shared>>
      tpu.wait_dma2 semaphore(%run_scoped3A : memref<!tpu.dma_semaphore, #tpu.memory_space<semaphore_mem>>) src(%dma_wait3A_28 : memref<632x128xf32, #tpu.memory_space<vmem_shared>>) dst(%dma_wait3A_26 : memref<632x128xf32, #tpu.memory_space<hbm>>)
      tpu.yield
    }) : () -> ()
    return
  }
}

#map = affine_map<(d0, d1) -> (0, 0, 0, 0)>
#map1 = affine_map<(d0, d1) -> (0, 0)>
#map2 = affine_map<(d0, d1) -> (0, 0, 0)>
module attributes {stable_mosaic.version = 14 : i64} {
  func.func @body(%arg0: i32, %arg1: i32, %arg2: memref<2x16x40x128xi32, #tpu.memory_space<hbm>>, %arg3: memref<10112x128xf32, #tpu.memory_space<hbm>>, %arg4: memref<128x128xf32, #tpu.memory_space<hbm>>, %arg5: memref<2x10112x128xf32, #tpu.memory_space<hbm>>, %arg6: memref<40x128xi32, #tpu.memory_space<vmem>>, %arg7: memref<128x128xf32, #tpu.memory_space<vmem>>, %arg8: memref<10112x128xf32, #tpu.memory_space<vmem_shared>>) attributes {dimension_semantics = [#tpu.dimension_semantics<core_parallel>, #tpu.dimension_semantics<subcore_parallel>], iteration_bounds = array<i64: 2, 16>, scalar_prefetch = 0 : i64, scratch_operands = 3 : i64, tpu.core_type = #tpu.core_type<sc_vector_subcore>, window_params = [{transform_indices = #map}, {transform_indices = #map1}, {transform_indices = #map1}, {transform_indices = #map2}]} {
    %mul3A = arith.constant 632 : i32
    %mul3A_0 = arith.muli %arg1, %mul3A : i32
    "tpu.region"() ({
      %run_scoped3A = tpu.sem_alloc : memref<!tpu.dma_semaphore, #tpu.memory_space<semaphore_mem>>
      %dma_start3A = arith.constant 0 : i32
      %dma_start3A_7 = arith.constant 0 : i32
      %dma_start3A_8 = tpu.memref_slice %arg2[%arg0, %arg1, %dma_start3A, %dma_start3A_7] : memref<2x16x40x128xi32, #tpu.memory_space<hbm>> -> memref<1x1x40x128xi32, #tpu.memory_space<hbm>>
      %dma_start3A_9 = tpu.memref_squeeze %dma_start3A_8 : memref<1x1x40x128xi32, #tpu.memory_space<hbm>> -> memref<40x128xi32, #tpu.memory_space<hbm>>
      %dma_start3A_10 = arith.constant 0 : i32
      %dma_start3A_11 = arith.constant 0 : i32
      %dma_start3A_12 = tpu.memref_slice %arg2[%arg0, %arg1, %dma_start3A_10, %dma_start3A_11] : memref<2x16x40x128xi32, #tpu.memory_space<hbm>> -> memref<1x1x40x128xi32, #tpu.memory_space<hbm>>
      %dma_start3A_13 = tpu.memref_squeeze %dma_start3A_12 : memref<1x1x40x128xi32, #tpu.memory_space<hbm>> -> memref<40x128xi32, #tpu.memory_space<hbm>>
      tpu.enqueue_dma source(%dma_start3A_13 : memref<40x128xi32, #tpu.memory_space<hbm>>) target(%arg6 : memref<40x128xi32, #tpu.memory_space<vmem>>) target_semaphore(%run_scoped3A : memref<!tpu.dma_semaphore, #tpu.memory_space<semaphore_mem>>)
      %dma_wait3A = arith.constant 0 : i32
      %dma_wait3A_14 = arith.constant 0 : i32
      %dma_wait3A_15 = tpu.memref_slice %arg2[%arg0, %arg1, %dma_wait3A, %dma_wait3A_14] : memref<2x16x40x128xi32, #tpu.memory_space<hbm>> -> memref<1x1x40x128xi32, #tpu.memory_space<hbm>>
      %dma_wait3A_16 = tpu.memref_squeeze %dma_wait3A_15 : memref<1x1x40x128xi32, #tpu.memory_space<hbm>> -> memref<40x128xi32, #tpu.memory_space<hbm>>
      %dma_wait3A_17 = arith.constant 0 : i32
      %dma_wait3A_18 = arith.constant 0 : i32
      %dma_wait3A_19 = tpu.memref_slice %arg2[%arg0, %arg1, %dma_wait3A_17, %dma_wait3A_18] : memref<2x16x40x128xi32, #tpu.memory_space<hbm>> -> memref<1x1x40x128xi32, #tpu.memory_space<hbm>>
      %dma_wait3A_20 = tpu.memref_squeeze %dma_wait3A_19 : memref<1x1x40x128xi32, #tpu.memory_space<hbm>> -> memref<40x128xi32, #tpu.memory_space<hbm>>
      tpu.wait_dma2 semaphore(%run_scoped3A : memref<!tpu.dma_semaphore, #tpu.memory_space<semaphore_mem>>) src(%dma_wait3A_20 : memref<40x128xi32, #tpu.memory_space<hbm>>) dst(%arg6 : memref<40x128xi32, #tpu.memory_space<vmem>>)
      tpu.yield
    }) : () -> ()
    "tpu.region"() ({
      %run_scoped3A = tpu.sem_alloc : memref<!tpu.dma_semaphore, #tpu.memory_space<semaphore_mem>>
      tpu.enqueue_dma source(%arg4 : memref<128x128xf32, #tpu.memory_space<hbm>>) target(%arg7 : memref<128x128xf32, #tpu.memory_space<vmem>>) target_semaphore(%run_scoped3A : memref<!tpu.dma_semaphore, #tpu.memory_space<semaphore_mem>>)
      tpu.wait_dma2 semaphore(%run_scoped3A : memref<!tpu.dma_semaphore, #tpu.memory_space<semaphore_mem>>) src(%arg4 : memref<128x128xf32, #tpu.memory_space<hbm>>) dst(%arg7 : memref<128x128xf32, #tpu.memory_space<vmem>>)
      tpu.yield
    }) : () -> ()
    "tpu.region"() ({
      %run_scoped3A = tpu.sem_alloc : memref<!tpu.dma_semaphore, #tpu.memory_space<semaphore_mem>>
      %dma_start3A = arith.constant 0 : i32
      %dma_start3A_7 = tpu.memref_slice %arg8[%mul3A_0, %dma_start3A] : memref<10112x128xf32, #tpu.memory_space<vmem_shared>> -> memref<632x128xf32, #tpu.memory_space<vmem_shared>>
      %dma_start3A_8 = arith.constant 0 : i32
      %dma_start3A_9 = tpu.memref_slice %arg3[%mul3A_0, %dma_start3A_8] : memref<10112x128xf32, #tpu.memory_space<hbm>> -> memref<632x128xf32, #tpu.memory_space<hbm>>
      tpu.enqueue_dma source(%dma_start3A_9 : memref<632x128xf32, #tpu.memory_space<hbm>>) target(%dma_start3A_7 : memref<632x128xf32, #tpu.memory_space<vmem_shared>>) target_semaphore(%run_scoped3A : memref<!tpu.dma_semaphore, #tpu.memory_space<semaphore_mem>>)
      %dma_wait3A = arith.constant 0 : i32
      %dma_wait3A_10 = tpu.memref_slice %arg8[%mul3A_0, %dma_wait3A] : memref<10112x128xf32, #tpu.memory_space<vmem_shared>> -> memref<632x128xf32, #tpu.memory_space<vmem_shared>>
      %dma_wait3A_11 = arith.constant 0 : i32
      %dma_wait3A_12 = tpu.memref_slice %arg3[%mul3A_0, %dma_wait3A_11] : memref<10112x128xf32, #tpu.memory_space<hbm>> -> memref<632x128xf32, #tpu.memory_space<hbm>>
      tpu.wait_dma2 semaphore(%run_scoped3A : memref<!tpu.dma_semaphore, #tpu.memory_space<semaphore_mem>>) src(%dma_wait3A_12 : memref<632x128xf32, #tpu.memory_space<hbm>>) dst(%dma_wait3A_10 : memref<632x128xf32, #tpu.memory_space<vmem_shared>>)
      tpu.yield
    }) : () -> ()
    %barrier3A = arith.constant 0 : index
    tpu.barrier barrier_id(%barrier3A)
    %scan3A = arith.constant 0 : i32
    %scan3A_1 = arith.constant 0 : i32
    %scan3A_2 = arith.constant 40 : i32
    %scan3A_3 = arith.addi %scan3A_1, %scan3A_2 : i32
    %scan3A_4 = arith.constant 1 : i32
    scf.for %scan3A_7 = %scan3A_1 to %scan3A_3 step %scan3A_4  : i32 {
      "tpu.region"() ({
        %run_scoped3A = tpu.sem_alloc : memref<!tpu.dma_semaphore, #tpu.memory_space<semaphore_mem>>
        %dma_start3A = arith.constant 0 : i32
        %dma_start3A_8 = tpu.memref_slice %arg6[%scan3A_7, %dma_start3A] : memref<40x128xi32, #tpu.memory_space<vmem>> -> memref<1x128xi32, #tpu.memory_space<vmem>>
        %dma_start3A_9 = tpu.memref_squeeze %dma_start3A_8 : memref<1x128xi32, #tpu.memory_space<vmem>> -> memref<128xi32, #tpu.memory_space<vmem>>
        %dma_start3A_10 = arith.constant 0 : i32
        %dma_start3A_11 = arith.constant 0 : i32
        %dma_start3A_12 = tpu.memref_slice %arg8[%dma_start3A_10, %dma_start3A_11] : memref<10112x128xf32, #tpu.memory_space<vmem_shared>> -> memref<10112x128xf32, #tpu.memory_space<vmem_shared>>
        tpu.enqueue_indirect_dma source(%arg7 : memref<128x128xf32, #tpu.memory_space<vmem>>) target(%dma_start3A_12 : memref<10112x128xf32, #tpu.memory_space<vmem_shared>>) offsets(%dma_start3A_9 : memref<128xi32, #tpu.memory_space<vmem>>) semaphore(%run_scoped3A : memref<!tpu.dma_semaphore, #tpu.memory_space<semaphore_mem>>) {add = true}
        %dma_wait3A = arith.constant 0 : i32
        %dma_wait3A_13 = tpu.memref_slice %arg6[%scan3A_7, %dma_wait3A] : memref<40x128xi32, #tpu.memory_space<vmem>> -> memref<1x128xi32, #tpu.memory_space<vmem>>
        %dma_wait3A_14 = tpu.memref_squeeze %dma_wait3A_13 : memref<1x128xi32, #tpu.memory_space<vmem>> -> memref<128xi32, #tpu.memory_space<vmem>>
        %dma_wait3A_15 = arith.constant 0 : i32
        %dma_wait3A_16 = arith.constant 0 : i32
        %dma_wait3A_17 = tpu.memref_slice %arg8[%dma_wait3A_15, %dma_wait3A_16] : memref<10112x128xf32, #tpu.memory_space<vmem_shared>> -> memref<10112x128xf32, #tpu.memory_space<vmem_shared>>
        tpu.wait_indirect_dma semaphore(%run_scoped3A : memref<!tpu.dma_semaphore, #tpu.memory_space<semaphore_mem>>) src(%arg7 : memref<128x128xf32, #tpu.memory_space<vmem>>) dst(%dma_wait3A_17 : memref<10112x128xf32, #tpu.memory_space<vmem_shared>>)
        tpu.yield
      }) : () -> ()
    }
    %scan3A_5 = arith.constant 40 : i32
    %barrier3A_6 = arith.constant 0 : index
    tpu.barrier barrier_id(%barrier3A_6)
    "tpu.region"() ({
      %run_scoped3A = tpu.sem_alloc : memref<!tpu.dma_semaphore, #tpu.memory_space<semaphore_mem>>
      %dma_start3A = arith.constant 0 : i32
      %dma_start3A_7 = tpu.memref_slice %arg5[%arg0, %mul3A_0, %dma_start3A] : memref<2x10112x128xf32, #tpu.memory_space<hbm>> -> memref<1x632x128xf32, #tpu.memory_space<hbm>>
      %dma_start3A_8 = tpu.memref_squeeze %dma_start3A_7 : memref<1x632x128xf32, #tpu.memory_space<hbm>> -> memref<632x128xf32, #tpu.memory_space<hbm>>
      %dma_start3A_9 = arith.constant 0 : i32
      %dma_start3A_10 = tpu.memref_slice %arg8[%mul3A_0, %dma_start3A_9] : memref<10112x128xf32, #tpu.memory_space<vmem_shared>> -> memref<632x128xf32, #tpu.memory_space<vmem_shared>>
      tpu.enqueue_dma source(%dma_start3A_10 : memref<632x128xf32, #tpu.memory_space<vmem_shared>>) target(%dma_start3A_8 : memref<632x128xf32, #tpu.memory_space<hbm>>) target_semaphore(%run_scoped3A : memref<!tpu.dma_semaphore, #tpu.memory_space<semaphore_mem>>)
      %dma_wait3A = arith.constant 0 : i32
      %dma_wait3A_11 = tpu.memref_slice %arg5[%arg0, %mul3A_0, %dma_wait3A] : memref<2x10112x128xf32, #tpu.memory_space<hbm>> -> memref<1x632x128xf32, #tpu.memory_space<hbm>>
      %dma_wait3A_12 = tpu.memref_squeeze %dma_wait3A_11 : memref<1x632x128xf32, #tpu.memory_space<hbm>> -> memref<632x128xf32, #tpu.memory_space<hbm>>
      %dma_wait3A_13 = arith.constant 0 : i32
      %dma_wait3A_14 = tpu.memref_slice %arg8[%mul3A_0, %dma_wait3A_13] : memref<10112x128xf32, #tpu.memory_space<vmem_shared>> -> memref<632x128xf32, #tpu.memory_space<vmem_shared>>
      tpu.wait_dma2 semaphore(%run_scoped3A : memref<!tpu.dma_semaphore, #tpu.memory_space<semaphore_mem>>) src(%dma_wait3A_14 : memref<632x128xf32, #tpu.memory_space<vmem_shared>>) dst(%dma_wait3A_12 : memref<632x128xf32, #tpu.memory_space<hbm>>)
      tpu.yield
    }) : () -> ()
    return
  }
}

module attributes {stable_mosaic.version = 14 : i64} {
  func.func @body(%arg0: i32, %arg1: memref<1000x256xf32, #tpu.memory_space<vmem>>, %arg2: memref<256x512xf32, #tpu.memory_space<vmem>>, %arg3: memref<1x256xf32, #tpu.memory_space<vmem>>, %arg4: memref<2x1000x128xf32, #tpu.memory_space<vmem>>, %arg5: memref<1000x256xf32, #tpu.memory_space<vmem>>) attributes {dimension_semantics = [#tpu.dimension_semantics<arbitrary>], iteration_bounds = array<i64: 10>, scalar_prefetch = 0 : i64, scratch_operands = 0 : i64, tpu.core_type = #tpu.core_type<tc>, window_params = [{transform_indices = @transform_0, window_bounds = array<i64: 1000, 256>}, {pipeline_mode = #tpu.pipeline_mode<synchronous>, transform_indices = @transform_1, window_bounds = array<i64: 256, 512>}, {pipeline_mode = #tpu.pipeline_mode<synchronous>, transform_indices = @transform_2, window_bounds = array<i64: 1, 256>}, {transform_indices = @transform_3, window_bounds = array<i64: 2, 1000, 128>}, {transform_indices = @transform_4, window_bounds = array<i64: 1000, 256>}]} {
    %get3A = arith.constant 0 : index
    %get3A_0 = arith.constant 0 : index
    %get3A_1 = vector.load %arg1[%get3A, %get3A_0] : memref<1000x256xf32, #tpu.memory_space<vmem>>, vector<1000x256xf32>
    %get3A_2 = arith.constant 0 : index
    %get3A_3 = arith.constant 0 : index
    %get3A_4 = vector.load %arg2[%get3A_2, %get3A_3] : memref<256x512xf32, #tpu.memory_space<vmem>>, vector<256x512xf32>
    %dot_general3A = arith.constant dense<0.000000e+00> : vector<1000x512xf32>
    %dot_general3A_5 = tpu.matmul %get3A_1, %get3A_4, %dot_general3A {dimension_numbers = #tpu.dot_dimension_numbers<[1], [0], [0], [1], [0, 0, 1, 1], [], []>, transpose_lhs_hint = false} : vector<1000x256xf32>, vector<256x512xf32>, vector<1000x512xf32> -> vector<1000x512xf32>
    %slice3A = vector.extract_strided_slice %dot_general3A_5 {offsets = [0, 0], sizes = [1000, 128], strides = [1, 1]} : vector<1000x512xf32> to vector<1000x128xf32>
    %swap3A = arith.constant 0 : index
    %swap3A_6 = arith.constant 0 : index
    %swap3A_7 = arith.constant 0 : index
    %swap3A_8 = vector.load %arg4[%swap3A, %swap3A_6, %swap3A_7] : memref<2x1000x128xf32, #tpu.memory_space<vmem>>, vector<1x1000x128xf32>
    %swap3A_9 = vector.shape_cast %swap3A_8 : vector<1x1000x128xf32> to vector<1000x128xf32>
    %swap3A_10 = vector.shape_cast %slice3A : vector<1000x128xf32> to vector<1x1000x128xf32>
    tpu.vector_store %arg4[%swap3A, %swap3A_6, %swap3A_7], %swap3A_10 {strides = array<i32>} : memref<2x1000x128xf32, #tpu.memory_space<vmem>>, vector<1x1000x128xf32>,
    %slice3A_11 = vector.extract_strided_slice %dot_general3A_5 {offsets = [0, 128], sizes = [1000, 128], strides = [1, 1]} : vector<1000x512xf32> to vector<1000x128xf32>
    %swap3A_12 = arith.constant 1 : index
    %swap3A_13 = arith.constant 0 : index
    %swap3A_14 = arith.constant 0 : index
    %swap3A_15 = vector.load %arg4[%swap3A_12, %swap3A_13, %swap3A_14] : memref<2x1000x128xf32, #tpu.memory_space<vmem>>, vector<1x1000x128xf32>
    %swap3A_16 = vector.shape_cast %swap3A_15 : vector<1x1000x128xf32> to vector<1000x128xf32>
    %swap3A_17 = vector.shape_cast %slice3A_11 : vector<1000x128xf32> to vector<1x1000x128xf32>
    tpu.vector_store %arg4[%swap3A_12, %swap3A_13, %swap3A_14], %swap3A_17 {strides = array<i32>} : memref<2x1000x128xf32, #tpu.memory_space<vmem>>, vector<1x1000x128xf32>,
    %slice3A_18 = vector.extract_strided_slice %dot_general3A_5 {offsets = [0, 256], sizes = [1000, 256], strides = [1, 1]} : vector<1000x512xf32> to vector<1000x256xf32>
    %get3A_19 = arith.constant 0 : index
    %get3A_20 = arith.constant 0 : index
    %get3A_21 = vector.load %arg3[%get3A_19, %get3A_20] : memref<1x256xf32, #tpu.memory_space<vmem>>, vector<1x256xf32>
    %add3A = vector.broadcast %get3A_21 : vector<1x256xf32> to vector<1000x256xf32>
    %add3A_22 = arith.addf %slice3A_18, %add3A : vector<1000x256xf32>
    %swap3A_23 = arith.constant 0 : index
    %swap3A_24 = arith.constant 0 : index
    %swap3A_25 = vector.load %arg5[%swap3A_23, %swap3A_24] : memref<1000x256xf32, #tpu.memory_space<vmem>>, vector<1000x256xf32>
    tpu.vector_store %arg5[%swap3A_23, %swap3A_24], %add3A_22 {strides = array<i32>} : memref<1000x256xf32, #tpu.memory_space<vmem>>, vector<1000x256xf32>,
    return
  }
  func.func @transform_0(%arg0: i32) -> (i32, i32) {
    %c0_i32 = arith.constant 0 : i32
    %c0_i32_0 = arith.constant 0 : i32
    return %arg0, %c0_i32 : i32, i32
  }
  func.func @transform_1(%arg0: i32) -> (i32, i32) {
    %c0_i32 = arith.constant 0 : i32
    %c0_i32_0 = arith.constant 0 : i32
    %c0_i32_1 = arith.constant 0 : i32
    return %c0_i32, %c0_i32_0 : i32, i32
  }
  func.func @transform_2(%arg0: i32) -> (i32, i32) {
    %c0_i32 = arith.constant 0 : i32
    %c0_i32_0 = arith.constant 0 : i32
    %c0_i32_1 = arith.constant 0 : i32
    return %c0_i32, %c0_i32_0 : i32, i32
  }
  func.func @transform_3(%arg0: i32) -> (i32, i32, i32) {
    %c0_i32 = arith.constant 0 : i32
    %c0_i32_0 = arith.constant 0 : i32
    %c0_i32_1 = arith.constant 0 : i32
    return %c0_i32, %arg0, %c0_i32_0 : i32, i32, i32
  }
  func.func @transform_4(%arg0: i32) -> (i32, i32) {
    %c0_i32 = arith.constant 0 : i32
    %c0_i32_0 = arith.constant 0 : i32
    return %arg0, %c0_i32 : i32, i32
  }
}

module attributes {stable_mosaic.version = 14 : i64} {
  func.func @body(%arg0: i32, %arg1: memref<2x1000x128xf32, #tpu.memory_space<vmem>>, %arg2: memref<2x1000x128xf32, #tpu.memory_space<vmem>>, %arg3: memref<1000x256xf32, #tpu.memory_space<vmem>>, %arg4: memref<256x256xf32, #tpu.memory_space<vmem>>, %arg5: memref<1x128xf32, #tpu.memory_space<vmem>>, %arg6: memref<1000x128xf32, #tpu.memory_space<vmem>>, %arg7: memref<1000x128xf32, #tpu.memory_space<vmem>>) attributes {dimension_semantics = [#tpu.dimension_semantics<arbitrary>], iteration_bounds = array<i64: 10>, scalar_prefetch = 0 : i64, scratch_operands = 0 : i64, tpu.core_type = #tpu.core_type<tc>, window_params = [{transform_indices = @transform_0, window_bounds = array<i64: 2, 1000, 128>}, {transform_indices = @transform_1, window_bounds = array<i64: 2, 1000, 128>}, {transform_indices = @transform_2, window_bounds = array<i64: 1000, 256>}, {pipeline_mode = #tpu.pipeline_mode<synchronous>, transform_indices = @transform_3, window_bounds = array<i64: 256, 256>}, {pipeline_mode = #tpu.pipeline_mode<synchronous>, transform_indices = @transform_4, window_bounds = array<i64: 1, 128>}, {transform_indices = @transform_5, window_bounds = array<i64: 1000, 128>}, {transform_indices = @transform_6, window_bounds = array<i64: 1000, 128>}]} {
    %get3A = arith.constant 0 : index
    %get3A_0 = arith.constant 0 : index
    %get3A_1 = arith.constant 0 : index
    %get3A_2 = vector.load %arg2[%get3A, %get3A_0, %get3A_1] : memref<2x1000x128xf32, #tpu.memory_space<vmem>>, vector<1x1000x1xf32>
    %get3A_3 = vector.shape_cast %get3A_2 : vector<1x1000x1xf32> to vector<1000x1xf32>
    %get3A_4 = arith.constant 1 : index
    %get3A_5 = arith.constant 0 : index
    %get3A_6 = arith.constant 0 : index
    %get3A_7 = vector.load %arg2[%get3A_4, %get3A_5, %get3A_6] : memref<2x1000x128xf32, #tpu.memory_space<vmem>>, vector<1x1000x1xf32>
    %get3A_8 = vector.shape_cast %get3A_7 : vector<1x1000x1xf32> to vector<1000x1xf32>
    %add3A = arith.addf %get3A_3, %get3A_8 : vector<1000x1xf32>
    %max3A = arith.constant 1.000000e+00 : f32
    %max3A_9 = vector.broadcast %max3A : f32 to vector<1000x1xf32>
    %max3A_10 = arith.maximumf %add3A, %max3A_9 : vector<1000x1xf32>
    %get3A_11 = arith.constant 0 : index
    %get3A_12 = arith.constant 0 : index
    %get3A_13 = arith.constant 0 : index
    %get3A_14 = vector.load %arg1[%get3A_11, %get3A_12, %get3A_13] : memref<2x1000x128xf32, #tpu.memory_space<vmem>>, vector<1x1000x128xf32>
    %get3A_15 = vector.shape_cast %get3A_14 : vector<1x1000x128xf32> to vector<1000x128xf32>
    %get3A_16 = arith.constant 1 : index
    %get3A_17 = arith.constant 0 : index
    %get3A_18 = arith.constant 0 : index
    %get3A_19 = vector.load %arg1[%get3A_16, %get3A_17, %get3A_18] : memref<2x1000x128xf32, #tpu.memory_space<vmem>>, vector<1x1000x128xf32>
    %get3A_20 = vector.shape_cast %get3A_19 : vector<1x1000x128xf32> to vector<1000x128xf32>
    %concatenate3A = tpu.concatenate %get3A_15, %get3A_20 in 1 : vector<1000x128xf32>, vector<1000x128xf32> -> vector<1000x256xf32>
    %div3A = vector.broadcast %max3A_10 : vector<1000x1xf32> to vector<1000x256xf32>
    %div3A_21 = arith.divf %concatenate3A, %div3A : vector<1000x256xf32>
    %get3A_22 = arith.constant 0 : index
    %get3A_23 = arith.constant 0 : index
    %get3A_24 = vector.load %arg3[%get3A_22, %get3A_23] : memref<1000x256xf32, #tpu.memory_space<vmem>>, vector<1000x256xf32>
    %add3A_25 = arith.addf %div3A_21, %get3A_24 : vector<1000x256xf32>
    %max3A_26 = arith.constant 0.000000e+00 : f32
    %max3A_27 = vector.broadcast %max3A_26 : f32 to vector<1000x256xf32>
    %max3A_28 = arith.maximumf %add3A_25, %max3A_27 : vector<1000x256xf32>
    %get3A_29 = arith.constant 0 : index
    %get3A_30 = arith.constant 0 : index
    %get3A_31 = vector.load %arg4[%get3A_29, %get3A_30] : memref<256x256xf32, #tpu.memory_space<vmem>>, vector<256x256xf32>
    %dot_general3A = arith.constant dense<0.000000e+00> : vector<1000x256xf32>
    %dot_general3A_32 = tpu.matmul %max3A_28, %get3A_31, %dot_general3A {dimension_numbers = #tpu.dot_dimension_numbers<[1], [0], [0], [1], [0, 0, 1, 1], [], []>, transpose_lhs_hint = false} : vector<1000x256xf32>, vector<256x256xf32>, vector<1000x256xf32> -> vector<1000x256xf32>
    %slice3A = vector.extract_strided_slice %dot_general3A_32 {offsets = [0, 0], sizes = [1000, 128], strides = [1, 1]} : vector<1000x256xf32> to vector<1000x128xf32>
    %swap3A = arith.constant 0 : index
    %swap3A_33 = arith.constant 0 : index
    %swap3A_34 = vector.load %arg6[%swap3A, %swap3A_33] : memref<1000x128xf32, #tpu.memory_space<vmem>>, vector<1000x128xf32>
    tpu.vector_store %arg6[%swap3A, %swap3A_33], %slice3A {strides = array<i32>} : memref<1000x128xf32, #tpu.memory_space<vmem>>, vector<1000x128xf32>,
    %slice3A_35 = vector.extract_strided_slice %dot_general3A_32 {offsets = [0, 128], sizes = [1000, 128], strides = [1, 1]} : vector<1000x256xf32> to vector<1000x128xf32>
    %get3A_36 = arith.constant 0 : index
    %get3A_37 = arith.constant 0 : index
    %get3A_38 = vector.load %arg5[%get3A_36, %get3A_37] : memref<1x128xf32, #tpu.memory_space<vmem>>, vector<1x128xf32>
    %add3A_39 = vector.broadcast %get3A_38 : vector<1x128xf32> to vector<1000x128xf32>
    %add3A_40 = arith.addf %slice3A_35, %add3A_39 : vector<1000x128xf32>
    %swap3A_41 = arith.constant 0 : index
    %swap3A_42 = arith.constant 0 : index
    %swap3A_43 = vector.load %arg7[%swap3A_41, %swap3A_42] : memref<1000x128xf32, #tpu.memory_space<vmem>>, vector<1000x128xf32>
    tpu.vector_store %arg7[%swap3A_41, %swap3A_42], %add3A_40 {strides = array<i32>} : memref<1000x128xf32, #tpu.memory_space<vmem>>, vector<1000x128xf32>,
    return
  }
  func.func @transform_0(%arg0: i32) -> (i32, i32, i32) {
    %c0_i32 = arith.constant 0 : i32
    %c0_i32_0 = arith.constant 0 : i32
    %c0_i32_1 = arith.constant 0 : i32
    return %c0_i32, %arg0, %c0_i32_0 : i32, i32, i32
  }
  func.func @transform_1(%arg0: i32) -> (i32, i32, i32) {
    %c0_i32 = arith.constant 0 : i32
    %c0_i32_0 = arith.constant 0 : i32
    %c0_i32_1 = arith.constant 0 : i32
    return %c0_i32, %arg0, %c0_i32_0 : i32, i32, i32
  }
  func.func @transform_2(%arg0: i32) -> (i32, i32) {
    %c0_i32 = arith.constant 0 : i32
    %c0_i32_0 = arith.constant 0 : i32
    return %arg0, %c0_i32 : i32, i32
  }
  func.func @transform_3(%arg0: i32) -> (i32, i32) {
    %c0_i32 = arith.constant 0 : i32
    %c0_i32_0 = arith.constant 0 : i32
    %c0_i32_1 = arith.constant 0 : i32
    return %c0_i32, %c0_i32_0 : i32, i32
  }
  func.func @transform_4(%arg0: i32) -> (i32, i32) {
    %c0_i32 = arith.constant 0 : i32
    %c0_i32_0 = arith.constant 0 : i32
    %c0_i32_1 = arith.constant 0 : i32
    return %c0_i32, %c0_i32_0 : i32, i32
  }
  func.func @transform_5(%arg0: i32) -> (i32, i32) {
    %c0_i32 = arith.constant 0 : i32
    %c0_i32_0 = arith.constant 0 : i32
    return %arg0, %c0_i32 : i32, i32
  }
  func.func @transform_6(%arg0: i32) -> (i32, i32) {
    %c0_i32 = arith.constant 0 : i32
    %c0_i32_0 = arith.constant 0 : i32
    return %arg0, %c0_i32 : i32, i32
  }
}

module attributes {stable_mosaic.version = 14 : i64} {
  func.func @body(%arg0: i32, %arg1: memref<2x1000x128xf32, #tpu.memory_space<vmem>>, %arg2: memref<2x1000x128xf32, #tpu.memory_space<vmem>>, %arg3: memref<1000x128xf32, #tpu.memory_space<vmem>>, %arg4: memref<1000x128xf32, #tpu.memory_space<vmem>>) attributes {dimension_semantics = [#tpu.dimension_semantics<arbitrary>], iteration_bounds = array<i64: 10>, scalar_prefetch = 0 : i64, scratch_operands = 0 : i64, tpu.core_type = #tpu.core_type<tc>, window_params = [{transform_indices = @transform_0, window_bounds = array<i64: 2, 1000, 128>}, {transform_indices = @transform_1, window_bounds = array<i64: 2, 1000, 128>}, {transform_indices = @transform_2, window_bounds = array<i64: 1000, 128>}, {transform_indices = @transform_3, window_bounds = array<i64: 1000, 128>}]} {
    %get3A = arith.constant 0 : index
    %get3A_0 = arith.constant 0 : index
    %get3A_1 = arith.constant 0 : index
    %get3A_2 = vector.load %arg2[%get3A, %get3A_0, %get3A_1] : memref<2x1000x128xf32, #tpu.memory_space<vmem>>, vector<1x1000x1xf32>
    %get3A_3 = vector.shape_cast %get3A_2 : vector<1x1000x1xf32> to vector<1000x1xf32>
    %get3A_4 = arith.constant 1 : index
    %get3A_5 = arith.constant 0 : index
    %get3A_6 = arith.constant 0 : index
    %get3A_7 = vector.load %arg2[%get3A_4, %get3A_5, %get3A_6] : memref<2x1000x128xf32, #tpu.memory_space<vmem>>, vector<1x1000x1xf32>
    %get3A_8 = vector.shape_cast %get3A_7 : vector<1x1000x1xf32> to vector<1000x1xf32>
    %add3A = arith.addf %get3A_3, %get3A_8 : vector<1000x1xf32>
    %max3A = arith.constant 1.000000e+00 : f32
    %max3A_9 = vector.broadcast %max3A : f32 to vector<1000x1xf32>
    %max3A_10 = arith.maximumf %add3A, %max3A_9 : vector<1000x1xf32>
    %get3A_11 = arith.constant 0 : index
    %get3A_12 = arith.constant 0 : index
    %get3A_13 = arith.constant 0 : index
    %get3A_14 = vector.load %arg1[%get3A_11, %get3A_12, %get3A_13] : memref<2x1000x128xf32, #tpu.memory_space<vmem>>, vector<1x1000x128xf32>
    %get3A_15 = vector.shape_cast %get3A_14 : vector<1x1000x128xf32> to vector<1000x128xf32>
    %get3A_16 = arith.constant 1 : index
    %get3A_17 = arith.constant 0 : index
    %get3A_18 = arith.constant 0 : index
    %get3A_19 = vector.load %arg1[%get3A_16, %get3A_17, %get3A_18] : memref<2x1000x128xf32, #tpu.memory_space<vmem>>, vector<1x1000x128xf32>
    %get3A_20 = vector.shape_cast %get3A_19 : vector<1x1000x128xf32> to vector<1000x128xf32>
    %add3A_21 = arith.addf %get3A_15, %get3A_20 : vector<1000x128xf32>
    %div3A = vector.broadcast %max3A_10 : vector<1000x1xf32> to vector<1000x128xf32>
    %div3A_22 = arith.divf %add3A_21, %div3A : vector<1000x128xf32>
    %get3A_23 = arith.constant 0 : index
    %get3A_24 = arith.constant 0 : index
    %get3A_25 = vector.load %arg3[%get3A_23, %get3A_24] : memref<1000x128xf32, #tpu.memory_space<vmem>>, vector<1000x128xf32>
    %add3A_26 = arith.addf %div3A_22, %get3A_25 : vector<1000x128xf32>
    %reduce_max3A = arith.constant dense<0xFF800000> : vector<1000xf32>
    %reduce_max3A_27 = vector.multi_reduction <maximumf>, %add3A_26, %reduce_max3A [1] : vector<1000x128xf32> to vector<1000xf32>
    %broadcast_in_dim3A = vector.shape_cast %reduce_max3A_27 : vector<1000xf32> to vector<1000x1xf32>
    %sub3A = vector.broadcast %broadcast_in_dim3A : vector<1000x1xf32> to vector<1000x128xf32>
    %sub3A_28 = arith.subf %add3A_26, %sub3A : vector<1000x128xf32>
    %exp3A = math.exp %sub3A_28 : vector<1000x128xf32>
    %reduce_sum3A = arith.constant dense<0.000000e+00> : vector<1000xf32>
    %reduce_sum3A_29 = vector.multi_reduction <add>, %exp3A, %reduce_sum3A [1] : vector<1000x128xf32> to vector<1000xf32>
    %broadcast_in_dim3A_30 = vector.shape_cast %reduce_sum3A_29 : vector<1000xf32> to vector<1000x1xf32>
    %log3A = math.log %broadcast_in_dim3A_30 : vector<1000x1xf32>
    %sub3A_31 = vector.broadcast %broadcast_in_dim3A : vector<1000x1xf32> to vector<1000x128xf32>
    %sub3A_32 = arith.subf %add3A_26, %sub3A_31 : vector<1000x128xf32>
    %sub3A_33 = vector.broadcast %log3A : vector<1000x1xf32> to vector<1000x128xf32>
    %sub3A_34 = arith.subf %sub3A_32, %sub3A_33 : vector<1000x128xf32>
    %swap3A = arith.constant 0 : index
    %swap3A_35 = arith.constant 0 : index
    %swap3A_36 = vector.load %arg4[%swap3A, %swap3A_35] : memref<1000x128xf32, #tpu.memory_space<vmem>>, vector<1000x128xf32>
    tpu.vector_store %arg4[%swap3A, %swap3A_35], %sub3A_34 {strides = array<i32>} : memref<1000x128xf32, #tpu.memory_space<vmem>>, vector<1000x128xf32>,
    return
  }
  func.func @transform_0(%arg0: i32) -> (i32, i32, i32) {
    %c0_i32 = arith.constant 0 : i32
    %c0_i32_0 = arith.constant 0 : i32
    %c0_i32_1 = arith.constant 0 : i32
    return %c0_i32, %arg0, %c0_i32_0 : i32, i32, i32
  }
  func.func @transform_1(%arg0: i32) -> (i32, i32, i32) {
    %c0_i32 = arith.constant 0 : i32
    %c0_i32_0 = arith.constant 0 : i32
    %c0_i32_1 = arith.constant 0 : i32
    return %c0_i32, %arg0, %c0_i32_0 : i32, i32, i32
  }
  func.func @transform_2(%arg0: i32) -> (i32, i32) {
    %c0_i32 = arith.constant 0 : i32
    %c0_i32_0 = arith.constant 0 : i32
    return %arg0, %c0_i32 : i32, i32
  }
  func.func @transform_3(%arg0: i32) -> (i32, i32) {
    %c0_i32 = arith.constant 0 : i32
    %c0_i32_0 = arith.constant 0 : i32
    return %arg0, %c0_i32 : i32, i32
  }
}

</mosaic_0001>

<sc_bundles>
// kernel: kernel.11.cloned.1.call-start
scs
__scs_entry_jumppad:
0x0: {  	(pc) =	sbr.rel $0x88, $3  }
0x1: {  	(tag) =	ssettag $0x0;
	lr =	simm.s32 $0x1  }
0x2: {  	[smem:$0x3F99] =	sst lr;
	_ =	strace $0xD0000000  }
0x3: {  	_ = 	snop  }
0x4: {  	_ = 	snop  }
0x5: {  	_ = 	snop  }
0x6: {  	_ = 	snop  }
0x7: {  	_ = 	snop  }
__scs_overlays_trampoline_lowered:
0x8: {  	[smem:$0x3FA8] =	sst s0  }
0x9: {  	[smem:$0x3FA9] =	sst s1  }
0xa: {  	[smem:$0x3FAA] =	sst s2  }
0xb: {  	[smem:$0x3FAB] =	sst s3  }
0xc: {  	[smem:$0x3FAC] =	sst s4  }
0xd: {  	[smem:$0x3FAD] =	sst s5  }
0xe: {  	[smem:$0x3FAE] =	sst s6  }
0xf: {  	[smem:$0x3FAF] =	sst s7  }
0x10: {  	[smem:$0x3FB0] =	sst s8  }
0x11: {  	[smem:$0x3FB1] =	sst s9;
	s0 =	simm.s32 @!p0 $0x0  }
0x12: {  	s1 =	sld [smem:$0x3F97];
	s0 =	simm.s32 @p0 $0x1  }
0x13: {  	[smem:$0x3FB2] =	sst s0;
	s0 =	simm.s32 @!p1 $0x0  }
0x14: {  	s2 =	sld [smem:$0x3F96];
	s0 =	simm.s32 @p1 $0x1  }
0x15: {  	[smem:$0x3FB3] =	sst s0;
	s0 =	simm.s32 @!p2 $0x0  }
0x16: {  	s3 =	sld [smem:$0x3FDB];
	s0 =	simm.s32 @p2 $0x1  }
0x17: {  	s4 =	simm.s32 $0x1BF5;
	[smem:$0x3FB5] =	sst s0  }
0x18: {  	s0 =	sld [smem:$0x3F98];
	_ =	swait.ge [sflag:s4], $0x0  }
0x19: {  	s7 =	sld [smem:$0x3F99]  }
0x1a: {  	s8 =	sadd.s32 $0xFFFFE003, lr  }
0x1b: {  	s9 =	sadd.s32 $0xFFFFFEF7, lr;
	s5 =	simm.s32 $0xFFFFFFFF;
	p2 =	slt.u32 s8, $0xFFFFF086  }
0x1c: {  	p1 =	slt.u32 s9, $0xF7A;
	s5 =	simm.s32 @!p2 $0x0  }
0x1d: {  	s5 =	simm.s32 @p1 $0x1;
	p0 =	seq.s32 s7, s2  }
0x1e: {  	s7 =	smul.u32 @!p0 $0xF7A, s2;
	p2 =	seq.s32 @!p0 s5, $0x0  }
0x1f: {  	s9 =	smul.u32 $0xF7A, s1;
	s8 =	simm.s32 @!p0 $0x1BF5;
	p2 =	por !p2, p0  }
0x20: {  	[sflag:s8] =	ssyncset.s32 @!p0 $0xFFFFF086;
	s6 =	sadd.s32 @!p0 s3, s7;
	s7 =	simm.s32 @!p0 $0x108  }
0x21: {  	s3 =	sadd.s32 s3, s9;
	s6 =	sadd.s32 @!p0 $0x88, s6;
	s7 =	simm.s32 @p2 $0x1082  }
0x22: {  	[simem:s7], [sflag:s8] =	dma.local @!p0 [hbm:s6], $0xF7A  }
0x23: {  	s9 =	sor.u32 $0xD0000000, s2;
	s6 =	simm.s32 $0x108;
	_ =	swait.ge @!p0 [sflag:s8], $0x0  }
0x24: {  	s3 =	sadd.s32 $0x88, s3;
	s6 =	simm.s32 @!p1 $0x1082;
	[sflag:s4] =	ssyncset.s32 $0xFFFFF086  }
0x25: {  	[simem:s6], [sflag:s4] =	dma.local [hbm:s3], $0xF7A  }
0x26: {  	[smem:$0x3F99] =	sst s1;
	(tag) =	ssettag s2;
	_ =	strace s9  }
0x27: {  	s1 =	sld [smem:$0x3FA9]  }
0x28: {  	s2 =	sld [smem:$0x3FAA]  }
0x29: {  	s4 =	sld [smem:$0x3FAC]  }
0x2a: {  	p0 =	seq.s32 s5, $0x0;
	s5 =	sld [smem:$0x3FAD]  }
0x2b: {  	s6 =	sld [smem:$0x3FAE]  }
0x2c: {  	s7 =	sld [smem:$0x3FAF]  }
0x2d: {  	s3 =	simm.s32 $0x108;
	s8 =	sld [smem:$0x3FB0]  }
0x2e: {  	s3 =	simm.s32 @!p0 $0x1082;
	s9 =	sld [smem:$0x3FB1]  }
0x2f: {  	lr =	sadd.s32 s0, s3;
	s0 =	sld [smem:$0x3FA8]  }
0x30: {  	s3 =	sld [smem:$0x3FAB]  }
0x31: {  	[smem:$0x3FB4] =	sst s10  }
0x32: {  	s10 =	sld [smem:$0x3FB2];
	_ =	sdelay $0x3  }
0x33: {  	p0 =	seq.s32 s10, $0x1;
	s10 =	sld [smem:$0x3FB4];
	_ =	sdelay $0x3  }
0x34: {  	[smem:$0x3FB4] =	sst s10  }
0x35: {  	s10 =	sld [smem:$0x3FB3];
	_ =	sdelay $0x3  }
0x36: {  	p1 =	seq.s32 s10, $0x1;
	s10 =	sld [smem:$0x3FB4];
	_ =	sdelay $0x3  }
0x37: {  	[smem:$0x3FB4] =	sst s10  }
0x38: {  	s10 =	sld [smem:$0x3FB5]  }
0x39: {  	_ = 	snop;
	(pc) =	sbr.ind lr, $3  }
0x3a: {  	_ = 	snop  }
0x3b: {  	_ = 	snop  }
0x3c: {  	p2 =	seq.s32 s10, $0x1;
	s10 =	sld [smem:$0x3FB4]  }
0x3d: {  	_ =	shalt  }
0x3e: {  	_ =	shalt  }
0x3f: {  	_ =	shalt  }
0x40: {  	_ =	shalt  }
0x41: {  	_ =	shalt  }
0x42: {  	_ =	shalt  }
0x43: {  	_ =	shalt  }
0x44: {  	_ =	shalt  }
0x45: {  	_ =	shalt  }
0x46: {  	_ =	shalt  }
0x47: {  	_ =	shalt  }
0x48: {  	_ =	shalt  }
0x49: {  	_ =	shalt  }
0x4a: {  	_ =	shalt  }
0x4b: {  	_ =	shalt  }
0x4c: {  	_ =	shalt  }
0x4d: {  	_ =	shalt  }
0x4e: {  	_ =	shalt  }
0x4f: {  	_ =	shalt  }
0x50: {  	_ =	shalt  }
0x51: {  	_ =	shalt  }
0x52: {  	_ =	shalt  }
0x53: {  	_ =	shalt  }
0x54: {  	_ =	shalt  }
0x55: {  	_ =	shalt  }
0x56: {  	_ =	shalt  }
0x57: {  	_ =	shalt  }
0x58: {  	_ =	shalt  }
0x59: {  	_ =	shalt  }
0x5a: {  	_ =	shalt  }
0x5b: {  	_ =	shalt  }
0x5c: {  	_ =	shalt  }
0x5d: {  	_ =	shalt  }
0x5e: {  	_ =	shalt  }
0x5f: {  	_ =	shalt  }
0x60: {  	_ =	shalt  }
0x61: {  	_ =	shalt  }
0x62: {  	_ =	shalt  }
0x63: {  	_ =	shalt  }
0x64: {  	_ =	shalt  }
0x65: {  	_ =	shalt  }
0x66: {  	_ =	shalt  }
0x67: {  	_ =	shalt  }
0x68: {  	_ =	shalt  }
0x69: {  	_ =	shalt  }
0x6a: {  	_ =	shalt  }
0x6b: {  	_ =	shalt  }
0x6c: {  	_ =	shalt  }
0x6d: {  	_ =	shalt  }
0x6e: {  	_ =	shalt  }
0x6f: {  	_ =	shalt  }
0x70: {  	_ =	shalt  }
0x71: {  	_ =	shalt  }
0x72: {  	_ =	shalt  }
0x73: {  	_ =	shalt  }
0x74: {  	_ =	shalt  }
0x75: {  	_ =	shalt  }
0x76: {  	_ =	shalt  }
0x77: {  	_ =	shalt  }
0x78: {  	_ =	shalt  }
0x79: {  	_ =	shalt  }
0x7a: {  	_ =	shalt  }
0x7b: {  	_ =	shalt  }
0x7c: {  	_ =	shalt  }
0x7d: {  	_ =	shalt  }
0x7e: {  	_ =	shalt  }
0x7f: {  	_ =	shalt  }
0x80: {  	_ =	shalt  }
0x81: {  	_ =	shalt  }
0x82: {  	_ =	shalt  }
0x83: {  	_ =	shalt  }
0x84: {  	_ =	shalt  }
0x85: {  	_ =	shalt  }
0x86: {  	_ =	shalt  }
0x87: {  	_ =	shalt  }
.Lfunc_end0:
.L_simem_size_0:
called_computation.1_lowered:
.L_overlay_start_0:
0x88: {  	s2 =	sld [smem:$0x3FD9]  }
0x89: {  	s3 =	sld [smem:$0x3FFE];
	_ =	sdelay $0x1  }
0x8a: {  	s1 =	srdreg.scid  }
0x8b: {  	s0 =	sand.u32 $0x1, s1  }
0x8c: {  	s17 =	sshll.u32 s0, $0xA;
	s2 =	sadd.s32 s3, s2  }
0x8d: {  	s2 =	sadd.s32 s2, s17  }
0x8e: {  	[smem:$0x3FC0] =	sst s2  }
0x8f: {  	_ = 	snop  }
0x90: {  	s2 =	sld [smem:$0x3FD0];
	(tm) =	ssettm $0x1  }
0x91: {  	s18 =	sld [smem:$0x3FFB];
	_ =	sdelay $0x3  }
0x92: {  	_ =	strace s18  }
0x93: {  	s3 =	sld [smem:$0x3FFC];
	_ =	sdelay $0x3  }
0x94: {  	_ =	strace s3  }
0x95: {  	s3 =	sld [smem:$0x3FFD];
	_ =	sdelay $0x3  }
0x96: {  	_ =	strace s3  }
0x97: {  	_ =	strace $0x8FFFFFFF  }
0x98: {  	s19 =	sld [smem:$0x3FDB];
	_ =	sdelay $0x1  }
0x99: {  	s4 =	simm.s32 $_scs_section_size  }
0x9a: {  	s5 =	simm.s32 $_size__tile_overlayer_lowered;
	s6 =	simm.s32 $_tile_overlayer_lowered  }
0x9b: {  	s22 =	simm.s32 $0x1BFF;
	s21 =	sshll.u32 s6, $0x1;
	s3 =	sadd.s32 s4, s19  }
0x9c: {  	s7 =	simm.s32 $0x0;
	s20 =	sshll.u32 s5, $0x1;
	s5 =	sadd.s32 s21, s3  }
0x9d: {  	[timem:s7], [sflag:s22] =	dma.local [hbm:s5], s20  }
0x9e: {  	_ =	swait.ge [sflag:s22], s20  }
0x9f: {  	s4 =	ssub.s32 $0x0, s20;
	[sflag:s22] =	ssyncset.done $0x0  }
0xa0: {  	[sflag:s22] =	ssyncadd.s32 s4;
	_ =	sdelay $0x1  }
0xa1: {  	s23 =	simm.s32 $0x1B8B  }
0xa2: {  	_ =	swait.ge [sflag:s23], $0x1  }
0xa3: {  	[sflag:s23] =	ssyncset.done $0x0  }
0xa4: {  	s25 =	simm.s32 $0x1B8E;
	s24 =	sld [smem:$0x3FFE];
	[sflag:s23] =	ssyncadd.s32 $0xFFFFFFFF  }
0xa5: {  	s26 =	simm.s32 $execute0_lowered;
	[smem:$0x3FD2] =	sst s25  }
0xa6: {  	s5 =	sshll.u32 s26, $0x1;
	_ =	strace $0x80000046;
	[dreg:$0x1] =	wrdreg $0xFFFFFFFF  }
0xa7: {  	s28 =	simm.s32 $_size_execute0_lowered;
	s3 =	sadd.s32 s3, s5;
	[dreg:$0x0] =	wrdreg $0x0  }
0xa8: {  	s5 =	sshll.u32 s28, $0x1;
	[dreg:$0x2] =	wrdreg s3  }
0xa9: {  	[dreg:$0x3] =	wrdreg s5  }
0xaa: {  	[dreg:$0x4] =	wrdreg $0xC0  }
0xab: {  	_ =	task [dreg:s7], $0x5FFFF  }
0xac: {  	[dreg:$0x1] =	wrdreg $0xFFFFFFFF  }
0xad: {  	[dreg:$0x0] =	wrdreg $0x60  }
0xae: {  	[dreg:$0x2] =	wrdreg s24  }
0xaf: {  	[dreg:$0x3] =	wrdreg s2  }
0xb0: {  	[dreg:$0x4] =	wrdreg $0xA8000  }
0xb1: {  	[dreg:$0x5] =	wrdreg $0xA  }
0xb2: {  	_ =	task.clear_ibuf [dreg:s7], $0x6FFFF;
	_ =	strace $0x90000046  }
0xb3: {  	s29 =	simm.s32 $0xA;
	_ =	strace $0x80000048  }
0xb4: {  	_ =	swait.ge [sflag:s29], $0x1  }
0xb5: {  	[sflag:s29] =	ssyncadd.s32 $0xFFFFFFFF  }
0xb6: {  	_ =	strace $0x90000048  }
0xb7: {  	_ =	sfence  }
0xb8: {  	s30 =	sld [smem:$0x0];
	_ =	sdelay $0x2  }
0xb9: {  	s31 =	sshll.u32 s1, $0xD;
	s1 =	sshrl.u32 s1, $0x2  }
0xba: {  	s3 =	sand.u32 $0x4000, s31;
	s1 =	sadd.s32 s1, s30  }
0xbb: {  	s0 =	sor.u32 s3, s0;
	s1 =	sshll.u32 s1, $0x11  }
0xbc: {  	s0 =	sor.u32 s1, s0  }
0xbd: {  	s0 =	sadd.s32 $0x8F2B, s0  }
0xbe: {  	[sflag:s0] =	ssyncadd.remote.s32 $0x1  }
0xbf: {  	_ =	sfence.sel $0xFFFF  }
0xc0: {  	[dreg:$0x0] =	wrdreg $0xFFFFFFFF;
	(pc) =	sbr.abs _section_cstart, $3  }
0xc1: {  	[dreg:$0x1] =	wrdreg $0xFFFFFFFF  }
0xc2: {  	_ =	task.clear_ibuf [dreg:s7], $0x2FFFF;
	_ =	strace $0x9FFFFFFF  }
0xc3: {  	(tm) =	ssettm $0x7FFFFFFF  }
tec
execute0_lowered:
.L_overlay_start_1:
0x0: {  	(tag) =	ssettag $0x1  }
0x1: {  	s5 =	rddreg [dreg:$0x0]  }
0x2: {  	s8 =	rddreg [dreg:$0x1]  }
0x3: {  	s2 =	rddreg [dreg:$0x2]  }
0x4: {  	s0 =	rddreg [dreg:$0x3];
	s1 =	stileid.u32  }
0x5: {  	s4 =	srdreg.scid;
	s3 =	simm.s32 $0x0;
	s15 =	simm.s32 $0x2800  }
0x6: {  	s16 =	simm.s32 $0x6800;
	s19 =	simm.s32 $0x1;
	s20 =	simm.s32 $0x2  }
0x7: {  	s21 =	simm.s32 $0x2700;
	s22 =	simm.s32 $0x2780;
	s6 =	smul.u32 $0x13C00, s1  }
0x8: {  	s23 =	simm.s32 $0x0;
	s7 =	sand.u32 $0x1, s4;
	s28 =	smul.u32 $0x2800, s1  }
0x9: {  	[smem:$0x7FF] =	sst s3;
	s4 =	sadd.s32 $0xB800, s5;
	s29 =	smul.u32 $0x4F000, s1  }
0xa: {  	s12 =	sadd.s32 $0x1800, s5;
	s17 =	sshll.u32 s1, $0x6;
	s9 =	smul.u32 $0x13C000, s7  }
0xb: {  	_ =	strace $0x80000047;
	s10 =	smul.u32 $0x28000, s7;
	s7 =	ssub.s32 $0x2, s7  }
0xc: {  	s17 =	sor.u32 $0x1C03, s17;
	s11 =	sshrl.u32 s6, $0x3;
	s30 =	sshrl.u32 s7, $0x1  }
0xd: {  	s31 =	sshrl.u32 s29, $0x2;
	s6 =	sadd.s32 s6, s9;
	s11 =	sadd.s32 s11, s5  }
0xe: {  	s9 =	sadd.s32 s28, s10;
	s14 =	ssub.s32 s7, s30;
	s18 =	sadd.s32 s31, s2  }
0xf: {  	s6 =	sshrl.u32 s6, $0x3;
	s9 =	sshrl.u32 s9, $0x3;
	s7 =	sadd.s32 $0x59A00, s11  }
0x10: {  	s11 =	smax.u32 s14, $0x1;
	s14 =	simm.s32 $0x80;
	s13 =	sadd.s32 s6, s5  }
0x11: {  	s5 =	sadd.s32 s8, s9;
	s6 =	sadd.s32 s12, s9;
	s9 =	sadd.s32 $0x280, s9  }
0x12: {  	s18 =	sshrl.u32 s18, $0x3;
	s8 =	sadd.s32 s8, s9;
	s9 =	sadd.s32 s12, s9  }
0x13: {  	s10 =	sadd.s32 $0x81200, s13;
	s12 =	simm.s32 $0x3;
	s13 =	simm.s32 $0x1400  }
.LBB2_1:
0x14: {  	[tilespmem:s3], [sflag:$0x3] =	stream.linear.gather [hbm4b:s5+s3], $0x1400, $0x38;
	[tilespmem:$0x1E400] =	vst v63  }
0x15: {  	_ =	swait.ge [sflag:s12], $0x1400  }
0x16: {  	[sflag:s12] =	ssyncset.done $0x0  }
0x17: {  	[sflag:s12] =	ssyncadd.s32 $0xFFFFEC00  }
0x18: {  	[tilespmem:s13], [sflag:$0x3] =	stream.linear.gather [hbm4b:s6+s3], $0x1400, $0x38;
	[tilespmem:$0x1E400] =	vst v63  }
0x19: {  	_ =	swait.ge [sflag:s12], $0x1400  }
0x1a: {  	[sflag:s12] =	ssyncset.done $0x0  }
0x1b: {  	[sflag:s12] =	ssyncadd.s32 $0xFFFFEC00  }
0x1c: {  	[tilespmem:s15], [sflag:$0x1] =	stream.indirect.gather [hbm4b:s4+s14], $0x80, s3, s14, $0xb8;
	[tilespmem:$0x1E400] =	vst v63  }
0x1d: {  	_ = 	snop  }
0x1e: {  	[tilespmem:s16], [sflag:$0x2] =	stream.indirect.gather [hbm4b:s4+s14], $0x80, s14, s14, $0xb8;
	[tilespmem:$0x1E400] =	vst v63  }
0x1f: {  	[spmem:s18], [sflag:s17] =	dma.local [hbm:s7], $0x2780  }
0x20: {  	_ =	swait.ge [sflag:s12], $0x2780  }
0x21: {  	[sflag:s12] =	ssyncset.done $0x0  }
0x22: {  	[sflag:s12] =	ssyncadd.s32 $0xFFFFD880  }
0x23: {  	[bflag:$0x0] =	sbarrier.arrive $0xFFFF  }
0x24: {  	_ =	swait.ge [sflag:s19], $0x4000  }
0x25: {  	[sflag:s19] =	ssyncset.done $0x0  }
0x26: {  	s24 =	simm.s32 $0x1400;
	[sflag:s19] =	ssyncadd.s32 $0xFFFFC000  }
0x27: {  	[spmem:s2] =	stream.indirect.scatter.add.f32 [tilespmem:s15], [sflag:$0x3], $0x80, s24, s14, $0xb8;
	[tilespmem:$0x1E400] =	vst v63  }
0x28: {  	_ =	swait.ge [sflag:s12], $0x4000  }
0x29: {  	[sflag:s12] =	ssyncset.done $0x0  }
0x2a: {  	s30 =	simm.s32 $0x100;
	[sflag:s12] =	ssyncadd.s32 $0xFFFFC000  }
0x2b: {  	[tilespmem:s15], [sflag:$0x1] =	stream.indirect.gather [hbm4b:s4+s14], $0x80, s30, s14, $0xb8;
	[tilespmem:$0x1E400] =	vst v63  }
0x2c: {  	_ =	swait.ge [sflag:s20], $0x4000  }
0x2d: {  	[sflag:s20] =	ssyncset.done $0x0  }
0x2e: {  	s31 =	simm.s32 $0x1480;
	[sflag:s20] =	ssyncadd.s32 $0xFFFFC000  }
0x2f: {  	[spmem:s2] =	stream.indirect.scatter.add.f32 [tilespmem:s16], [sflag:$0x3], $0x80, s31, s14, $0xb8;
	[tilespmem:$0x1E400] =	vst v63  }
0x30: {  	_ =	swait.ge [sflag:s12], $0x4000  }
0x31: {  	[sflag:s12] =	ssyncset.done $0x0  }
0x32: {  	s25 =	simm.s32 $0x180;
	s24 =	simm.s32 $0x400;
	[sflag:s12] =	ssyncadd.s32 $0xFFFFC000  }
.LBB2_2:
0x33: {  	[tilespmem:s16], [sflag:$0x2] =	stream.indirect.gather [hbm4b:s4+s14], $0x80, s25, s14, $0xb8;
	[tilespmem:$0x1E400] =	vst v63  }
0x34: {  	s25 =	smov.u32 s24  }
0x35: {  	p0 =	sne.s32 s24, $0x4800;
	s24 =	sadd.s32 $0x400, s24;
	_ =	swait.ge [sflag:s19], $0x4000  }
0x36: {  	s25 =	sshra.s32 s25, $0x2;
	[sflag:s19] =	ssyncset.done $0x0  }
0x37: {  	s26 =	sadd.s32 $0x1400, s25;
	[sflag:s19] =	ssyncadd.s32 $0xFFFFC000  }
0x38: {  	[spmem:s2] =	stream.indirect.scatter.add.f32 [tilespmem:s15], [sflag:$0x3], $0x80, s26, s14, $0xb8;
	[tilespmem:$0x1E400] =	vst v63  }
0x39: {  	_ =	swait.ge [sflag:s12], $0x4000  }
0x3a: {  	[sflag:s12] =	ssyncset.done $0x0  }
0x3b: {  	s26 =	sadd.s32 $0x100, s25;
	[sflag:s12] =	ssyncadd.s32 $0xFFFFC000  }
0x3c: {  	[tilespmem:s15], [sflag:$0x1] =	stream.indirect.gather [hbm4b:s4+s14], $0x80, s26, s14, $0xb8;
	[tilespmem:$0x1E400] =	vst v63  }
0x3d: {  	_ =	swait.ge [sflag:s20], $0x4000  }
0x3e: {  	[sflag:s20] =	ssyncset.done $0x0  }
.Ltmp0:
0x3f: {  	s26 =	sadd.s32 $0x1480, s25;
	[sflag:s20] =	ssyncadd.s32 $0xFFFFC000;
	(pc) =	sbr.rel @p0 .LBB2_2-.Ltmp0, $4  }
0x40: {  	[spmem:s2] =	stream.indirect.scatter.add.f32 [tilespmem:s16], [sflag:$0x3], $0x80, s26, s14, $0xb8;
	[tilespmem:$0x1E400] =	vst v63  }
0x41: {  	_ =	swait.ge [sflag:s12], $0x4000  }
0x42: {  	[sflag:s12] =	ssyncset.done $0x0  }
0x43: {  	s25 =	sadd.s32 $0x180, s25;
	[sflag:s12] =	ssyncadd.s32 $0xFFFFC000  }
0x44: {  	[tilespmem:s16], [sflag:$0x2] =	stream.indirect.gather [hbm4b:s4+s14], $0x80, s25, s14, $0xb8;
	[tilespmem:$0x1E400] =	vst v63  }
0x45: {  	_ =	swait.ge [sflag:s19], $0x4000  }
0x46: {  	[sflag:s19] =	ssyncset.done $0x0  }
0x47: {  	[sflag:s19] =	ssyncadd.s32 $0xFFFFC000  }
0x48: {  	[spmem:s2] =	stream.indirect.scatter.add.f32 [tilespmem:s15], [sflag:$0x3], $0x80, s21, s14, $0xb8;
	[tilespmem:$0x1E400] =	vst v63  }
0x49: {  	_ =	swait.ge [sflag:s12], $0x4000  }
0x4a: {  	[sflag:s12] =	ssyncset.done $0x0  }
0x4b: {  	[sflag:s12] =	ssyncadd.s32 $0xFFFFC000  }
0x4c: {  	_ =	swait.ge [sflag:s20], $0x4000  }
0x4d: {  	[sflag:s20] =	ssyncset.done $0x0  }
0x4e: {  	[sflag:s20] =	ssyncadd.s32 $0xFFFFC000  }
0x4f: {  	[spmem:s2] =	stream.indirect.scatter.add.f32 [tilespmem:s16], [sflag:$0x3], $0x80, s22, s14, $0xb8;
	[tilespmem:$0x1E400] =	vst v63  }
0x50: {  	_ =	swait.ge [sflag:s12], $0x4000  }
0x51: {  	[sflag:s12] =	ssyncset.done $0x0  }
0x52: {  	s24 =	simm.s32 $0x0;
	[sflag:s12] =	ssyncadd.s32 $0xFFFFC000  }
0x53: {  	[tilespmem:s24], [sflag:$0x3] =	stream.linear.gather [hbm4b:s8+s24], $0x1400, $0x38;
	[tilespmem:$0x1E400] =	vst v63  }
0x54: {  	_ =	swait.ge [sflag:s12], $0x1400  }
0x55: {  	[sflag:s12] =	ssyncset.done $0x0  }
0x56: {  	[sflag:s12] =	ssyncadd.s32 $0xFFFFEC00  }
0x57: {  	[tilespmem:s13], [sflag:$0x3] =	stream.linear.gather [hbm4b:s9+s24], $0x1400, $0x38;
	[tilespmem:$0x1E400] =	vst v63  }
0x58: {  	_ =	swait.ge [sflag:s12], $0x1400  }
0x59: {  	[sflag:s12] =	ssyncset.done $0x0  }
0x5a: {  	[sflag:s12] =	ssyncadd.s32 $0xFFFFEC00  }
0x5b: {  	[tilespmem:s15], [sflag:$0x1] =	stream.indirect.gather [hbm4b:s4+s14], $0x80, s24, s14, $0xb8;
	[tilespmem:$0x1E400] =	vst v63  }
0x5c: {  	_ = 	snop  }
0x5d: {  	[tilespmem:s16], [sflag:$0x2] =	stream.indirect.gather [hbm4b:s4+s14], $0x80, s14, s14, $0xb8;
	[tilespmem:$0x1E400] =	vst v63  }
0x5e: {  	_ =	swait.ge [sflag:s19], $0x4000  }
0x5f: {  	[sflag:s19] =	ssyncset.done $0x0  }
0x60: {  	s29 =	simm.s32 $0x1400;
	[sflag:s19] =	ssyncadd.s32 $0xFFFFC000  }
0x61: {  	[spmem:s2] =	stream.indirect.scatter.add.f32 [tilespmem:s15], [sflag:$0x3], $0x80, s29, s14, $0xb8;
	[tilespmem:$0x1E400] =	vst v63  }
0x62: {  	_ =	swait.ge [sflag:s12], $0x4000  }
0x63: {  	[sflag:s12] =	ssyncset.done $0x0  }
0x64: {  	s30 =	simm.s32 $0x100;
	[sflag:s12] =	ssyncadd.s32 $0xFFFFC000  }
0x65: {  	[tilespmem:s15], [sflag:$0x1] =	stream.indirect.gather [hbm4b:s4+s14], $0x80, s30, s14, $0xb8;
	[tilespmem:$0x1E400] =	vst v63  }
0x66: {  	_ =	swait.ge [sflag:s20], $0x4000  }
0x67: {  	[sflag:s20] =	ssyncset.done $0x0  }
0x68: {  	s31 =	simm.s32 $0x1480;
	[sflag:s20] =	ssyncadd.s32 $0xFFFFC000  }
0x69: {  	[spmem:s2] =	stream.indirect.scatter.add.f32 [tilespmem:s16], [sflag:$0x3], $0x80, s31, s14, $0xb8;
	[tilespmem:$0x1E400] =	vst v63  }
0x6a: {  	_ =	swait.ge [sflag:s12], $0x4000  }
0x6b: {  	[sflag:s12] =	ssyncset.done $0x0  }
0x6c: {  	s25 =	simm.s32 $0x180;
	s24 =	simm.s32 $0x400;
	[sflag:s12] =	ssyncadd.s32 $0xFFFFC000  }
.LBB2_4:
0x6d: {  	[tilespmem:s16], [sflag:$0x2] =	stream.indirect.gather [hbm4b:s4+s14], $0x80, s25, s14, $0xb8;
	[tilespmem:$0x1E400] =	vst v63  }
0x6e: {  	s25 =	smov.u32 s24  }
0x6f: {  	p0 =	sne.s32 s24, $0x4800;
	s24 =	sadd.s32 $0x400, s24;
	_ =	swait.ge [sflag:s19], $0x4000  }
0x70: {  	s25 =	sshra.s32 s25, $0x2;
	[sflag:s19] =	ssyncset.done $0x0  }
0x71: {  	s26 =	sadd.s32 $0x1400, s25;
	[sflag:s19] =	ssyncadd.s32 $0xFFFFC000  }
0x72: {  	[spmem:s2] =	stream.indirect.scatter.add.f32 [tilespmem:s15], [sflag:$0x3], $0x80, s26, s14, $0xb8;
	[tilespmem:$0x1E400] =	vst v63  }
0x73: {  	_ =	swait.ge [sflag:s12], $0x4000  }
0x74: {  	[sflag:s12] =	ssyncset.done $0x0  }
0x75: {  	s26 =	sadd.s32 $0x100, s25;
	[sflag:s12] =	ssyncadd.s32 $0xFFFFC000  }
0x76: {  	[tilespmem:s15], [sflag:$0x1] =	stream.indirect.gather [hbm4b:s4+s14], $0x80, s26, s14, $0xb8;
	[tilespmem:$0x1E400] =	vst v63  }
0x77: {  	_ =	swait.ge [sflag:s20], $0x4000  }
0x78: {  	[sflag:s20] =	ssyncset.done $0x0  }
.Ltmp1:
0x79: {  	s26 =	sadd.s32 $0x1480, s25;
	[sflag:s20] =	ssyncadd.s32 $0xFFFFC000;
	(pc) =	sbr.rel @p0 .LBB2_4-.Ltmp1, $4  }
0x7a: {  	[spmem:s2] =	stream.indirect.scatter.add.f32 [tilespmem:s16], [sflag:$0x3], $0x80, s26, s14, $0xb8;
	[tilespmem:$0x1E400] =	vst v63  }
0x7b: {  	_ =	swait.ge [sflag:s12], $0x4000  }
0x7c: {  	[sflag:s12] =	ssyncset.done $0x0  }
0x7d: {  	s25 =	sadd.s32 $0x180, s25;
	[sflag:s12] =	ssyncadd.s32 $0xFFFFC000  }
0x7e: {  	[tilespmem:s16], [sflag:$0x2] =	stream.indirect.gather [hbm4b:s4+s14], $0x80, s25, s14, $0xb8;
	[tilespmem:$0x1E400] =	vst v63  }
0x7f: {  	_ =	swait.ge [sflag:s19], $0x4000  }
0x80: {  	[sflag:s19] =	ssyncset.done $0x0  }
0x81: {  	[sflag:s19] =	ssyncadd.s32 $0xFFFFC000  }
0x82: {  	[spmem:s2] =	stream.indirect.scatter.add.f32 [tilespmem:s15], [sflag:$0x3], $0x80, s21, s14, $0xb8;
	[tilespmem:$0x1E400] =	vst v63  }
0x83: {  	_ =	swait.ge [sflag:s12], $0x4000  }
0x84: {  	[sflag:s12] =	ssyncset.done $0x0  }
0x85: {  	[sflag:s12] =	ssyncadd.s32 $0xFFFFC000  }
0x86: {  	_ =	swait.ge [sflag:s20], $0x4000  }
0x87: {  	[sflag:s20] =	ssyncset.done $0x0  }
0x88: {  	[sflag:s20] =	ssyncadd.s32 $0xFFFFC000  }
0x89: {  	[spmem:s2] =	stream.indirect.scatter.add.f32 [tilespmem:s16], [sflag:$0x3], $0x80, s22, s14, $0xb8;
	[tilespmem:$0x1E400] =	vst v63  }
0x8a: {  	_ =	swait.ge [sflag:s12], $0x4000  }
0x8b: {  	s23 =	sadd.s32 $0x1, s23;
	[sflag:s12] =	ssyncset.done $0x0  }
0x8c: {  	p0 =	sne.s32 s23, s11;
	[sflag:s12] =	ssyncadd.s32 $0xFFFFC000  }
.Ltmp2:
0x8d: {  	[bflag:$0x0] =	sbarrier.arrive $0xFFFF;
	(pc) =	sbr.rel @p0 .LBB2_1-.Ltmp2, $4  }
0x8e: {  	[hbm:s10], [sflag:s17] =	dma.local [spmem:s18], $0x2780  }
0x8f: {  	_ =	swait.ge [sflag:s12], $0x2780  }
0x90: {  	[sflag:s12] =	ssyncset.done $0x0  }
0x91: {  	[sflag:s12] =	ssyncadd.s32 $0xFFFFD880  }
0x92: {  	_ =	sfence.sel $0x180000  }
0x93: {  	[bflag:$0x0] =	sbarrier.arrive $0xFFFF  }
0x94: {  	p0 =	sne.s32 s1, $0x0;
	_ =	strace $0x90000047  }
0x95: {  	s0 =	sadd.s32 @!p0 $0x100000, s0;
	[bflag:$0x2] =	sbarrier.arrive $0xFFFF  }
0x96: {  	[sflag:s0] =	ssyncadd.tile.s32 @!p0 $0x1;
	_ =	shalt  }
.Lfunc_end2:
_tile_overlayer_lowered:
.L_overlay_start_2:
0x97: {  	(tag) =	ssettag $0x2  }
0x98: {  	s0 =	rddreg [dreg:$0x0];
	s2 =	stileid.u32  }
0x99: {  	s1 =	rddreg [dreg:$0x1];
	p0 =	sne.s32 s2, $0x0  }
0x9a: {  	s3 =	rddreg [dreg:$0x2];
	[bflag:$0x3] =	sbarrier.arrive $0xFFFF;
	s2 =	simm.s32 @!p0 $0x1C03  }
0x9b: {  	[timem:s3], [sflag:s2] =	dma.local @!p0 [hbm:s0], s1  }
0x9c: {  	s0 =	simm.s32 @!p0 $0x3  }
0x9d: {  	_ =	swait.ge @!p0 [sflag:s0], s1  }
0x9e: {  	s1 =	ssub.s32 @!p0 $0x0, s1;
	[sflag:s0] =	ssyncset.done @!p0 $0x0  }
0x9f: {  	[sflag:s0] =	ssyncadd.s32 @!p0 s1  }
0xa0: {  	[bflag:$0x3] =	sbarrier.arrive $0xFFFF  }
0xa1: {  	_ =	shalt  }

// kernel: kernel.14.cloned.1.call-start
scs
__scs_entry_jumppad:
0x0: {  	(pc) =	sbr.rel $0x88, $3  }
0x1: {  	(tag) =	ssettag $0x0;
	lr =	simm.s32 $0x1  }
0x2: {  	[smem:$0x3F99] =	sst lr;
	_ =	strace $0xD0000000  }
0x3: {  	_ = 	snop  }
0x4: {  	_ = 	snop  }
0x5: {  	_ = 	snop  }
0x6: {  	_ = 	snop  }
0x7: {  	_ = 	snop  }
__scs_overlays_trampoline_lowered:
0x8: {  	[smem:$0x3FA8] =	sst s0  }
0x9: {  	[smem:$0x3FA9] =	sst s1  }
0xa: {  	[smem:$0x3FAA] =	sst s2  }
0xb: {  	[smem:$0x3FAB] =	sst s3  }
0xc: {  	[smem:$0x3FAC] =	sst s4  }
0xd: {  	[smem:$0x3FAD] =	sst s5  }
0xe: {  	[smem:$0x3FAE] =	sst s6  }
0xf: {  	[smem:$0x3FAF] =	sst s7  }
0x10: {  	[smem:$0x3FB0] =	sst s8  }
0x11: {  	[smem:$0x3FB1] =	sst s9;
	s0 =	simm.s32 @!p0 $0x0  }
0x12: {  	s1 =	sld [smem:$0x3F97];
	s0 =	simm.s32 @p0 $0x1  }
0x13: {  	[smem:$0x3FB2] =	sst s0;
	s0 =	simm.s32 @!p1 $0x0  }
0x14: {  	s2 =	sld [smem:$0x3F96];
	s0 =	simm.s32 @p1 $0x1  }
0x15: {  	[smem:$0x3FB3] =	sst s0;
	s0 =	simm.s32 @!p2 $0x0  }
0x16: {  	s3 =	sld [smem:$0x3FDB];
	s0 =	simm.s32 @p2 $0x1  }
0x17: {  	s4 =	simm.s32 $0x1BF5;
	[smem:$0x3FB5] =	sst s0  }
0x18: {  	s0 =	sld [smem:$0x3F98];
	_ =	swait.ge [sflag:s4], $0x0  }
0x19: {  	s7 =	sld [smem:$0x3F99]  }
0x1a: {  	s8 =	sadd.s32 $0xFFFFE003, lr  }
0x1b: {  	s9 =	sadd.s32 $0xFFFFFEF7, lr;
	s5 =	simm.s32 $0xFFFFFFFF;
	p2 =	slt.u32 s8, $0xFFFFF086  }
0x1c: {  	p1 =	slt.u32 s9, $0xF7A;
	s5 =	simm.s32 @!p2 $0x0  }
0x1d: {  	s5 =	simm.s32 @p1 $0x1;
	p0 =	seq.s32 s7, s2  }
0x1e: {  	s7 =	smul.u32 @!p0 $0xF7A, s2;
	p2 =	seq.s32 @!p0 s5, $0x0  }
0x1f: {  	s9 =	smul.u32 $0xF7A, s1;
	s8 =	simm.s32 @!p0 $0x1BF5;
	p2 =	por !p2, p0  }
0x20: {  	[sflag:s8] =	ssyncset.s32 @!p0 $0xFFFFF086;
	s6 =	sadd.s32 @!p0 s3, s7;
	s7 =	simm.s32 @!p0 $0x108  }
0x21: {  	s3 =	sadd.s32 s3, s9;
	s6 =	sadd.s32 @!p0 $0x88, s6;
	s7 =	simm.s32 @p2 $0x1082  }
0x22: {  	[simem:s7], [sflag:s8] =	dma.local @!p0 [hbm:s6], $0xF7A  }
0x23: {  	s9 =	sor.u32 $0xD0000000, s2;
	s6 =	simm.s32 $0x108;
	_ =	swait.ge @!p0 [sflag:s8], $0x0  }
0x24: {  	s3 =	sadd.s32 $0x88, s3;
	s6 =	simm.s32 @!p1 $0x1082;
	[sflag:s4] =	ssyncset.s32 $0xFFFFF086  }
0x25: {  	[simem:s6], [sflag:s4] =	dma.local [hbm:s3], $0xF7A  }
0x26: {  	[smem:$0x3F99] =	sst s1;
	(tag) =	ssettag s2;
	_ =	strace s9  }
0x27: {  	s1 =	sld [smem:$0x3FA9]  }
0x28: {  	s2 =	sld [smem:$0x3FAA]  }
0x29: {  	s4 =	sld [smem:$0x3FAC]  }
0x2a: {  	p0 =	seq.s32 s5, $0x0;
	s5 =	sld [smem:$0x3FAD]  }
0x2b: {  	s6 =	sld [smem:$0x3FAE]  }
0x2c: {  	s7 =	sld [smem:$0x3FAF]  }
0x2d: {  	s3 =	simm.s32 $0x108;
	s8 =	sld [smem:$0x3FB0]  }
0x2e: {  	s3 =	simm.s32 @!p0 $0x1082;
	s9 =	sld [smem:$0x3FB1]  }
0x2f: {  	lr =	sadd.s32 s0, s3;
	s0 =	sld [smem:$0x3FA8]  }
0x30: {  	s3 =	sld [smem:$0x3FAB]  }
0x31: {  	[smem:$0x3FB4] =	sst s10  }
0x32: {  	s10 =	sld [smem:$0x3FB2];
	_ =	sdelay $0x3  }
0x33: {  	p0 =	seq.s32 s10, $0x1;
	s10 =	sld [smem:$0x3FB4];
	_ =	sdelay $0x3  }
0x34: {  	[smem:$0x3FB4] =	sst s10  }
0x35: {  	s10 =	sld [smem:$0x3FB3];
	_ =	sdelay $0x3  }
0x36: {  	p1 =	seq.s32 s10, $0x1;
	s10 =	sld [smem:$0x3FB4];
	_ =	sdelay $0x3  }
0x37: {  	[smem:$0x3FB4] =	sst s10  }
0x38: {  	s10 =	sld [smem:$0x3FB5]  }
0x39: {  	_ = 	snop;
	(pc) =	sbr.ind lr, $3  }
0x3a: {  	_ = 	snop  }
0x3b: {  	_ = 	snop  }
0x3c: {  	p2 =	seq.s32 s10, $0x1;
	s10 =	sld [smem:$0x3FB4]  }
0x3d: {  	_ =	shalt  }
0x3e: {  	_ =	shalt  }
0x3f: {  	_ =	shalt  }
0x40: {  	_ =	shalt  }
0x41: {  	_ =	shalt  }
0x42: {  	_ =	shalt  }
0x43: {  	_ =	shalt  }
0x44: {  	_ =	shalt  }
0x45: {  	_ =	shalt  }
0x46: {  	_ =	shalt  }
0x47: {  	_ =	shalt  }
0x48: {  	_ =	shalt  }
0x49: {  	_ =	shalt  }
0x4a: {  	_ =	shalt  }
0x4b: {  	_ =	shalt  }
0x4c: {  	_ =	shalt  }
0x4d: {  	_ =	shalt  }
0x4e: {  	_ =	shalt  }
0x4f: {  	_ =	shalt  }
0x50: {  	_ =	shalt  }
0x51: {  	_ =	shalt  }
0x52: {  	_ =	shalt  }
0x53: {  	_ =	shalt  }
0x54: {  	_ =	shalt  }
0x55: {  	_ =	shalt  }
0x56: {  	_ =	shalt  }
0x57: {  	_ =	shalt  }
0x58: {  	_ =	shalt  }
0x59: {  	_ =	shalt  }
0x5a: {  	_ =	shalt  }
0x5b: {  	_ =	shalt  }
0x5c: {  	_ =	shalt  }
0x5d: {  	_ =	shalt  }
0x5e: {  	_ =	shalt  }
0x5f: {  	_ =	shalt  }
0x60: {  	_ =	shalt  }
0x61: {  	_ =	shalt  }
0x62: {  	_ =	shalt  }
0x63: {  	_ =	shalt  }
0x64: {  	_ =	shalt  }
0x65: {  	_ =	shalt  }
0x66: {  	_ =	shalt  }
0x67: {  	_ =	shalt  }
0x68: {  	_ =	shalt  }
0x69: {  	_ =	shalt  }
0x6a: {  	_ =	shalt  }
0x6b: {  	_ =	shalt  }
0x6c: {  	_ =	shalt  }
0x6d: {  	_ =	shalt  }
0x6e: {  	_ =	shalt  }
0x6f: {  	_ =	shalt  }
0x70: {  	_ =	shalt  }
0x71: {  	_ =	shalt  }
0x72: {  	_ =	shalt  }
0x73: {  	_ =	shalt  }
0x74: {  	_ =	shalt  }
0x75: {  	_ =	shalt  }
0x76: {  	_ =	shalt  }
0x77: {  	_ =	shalt  }
0x78: {  	_ =	shalt  }
0x79: {  	_ =	shalt  }
0x7a: {  	_ =	shalt  }
0x7b: {  	_ =	shalt  }
0x7c: {  	_ =	shalt  }
0x7d: {  	_ =	shalt  }
0x7e: {  	_ =	shalt  }
0x7f: {  	_ =	shalt  }
0x80: {  	_ =	shalt  }
0x81: {  	_ =	shalt  }
0x82: {  	_ =	shalt  }
0x83: {  	_ =	shalt  }
0x84: {  	_ =	shalt  }
0x85: {  	_ =	shalt  }
0x86: {  	_ =	shalt  }
0x87: {  	_ =	shalt  }
.Lfunc_end0:
.L_simem_size_0:
called_computation.2_lowered:
.L_overlay_start_0:
0x88: {  	s2 =	sld [smem:$0x3FD9]  }
0x89: {  	s3 =	sld [smem:$0x3FFE];
	_ =	sdelay $0x1  }
0x8a: {  	s1 =	srdreg.scid  }
0x8b: {  	s0 =	sand.u32 $0x1, s1  }
0x8c: {  	s17 =	sshll.u32 s0, $0xA;
	s2 =	sadd.s32 s3, s2  }
0x8d: {  	s2 =	sadd.s32 s2, s17  }
0x8e: {  	[smem:$0x3FC0] =	sst s2  }
0x8f: {  	_ = 	snop  }
0x90: {  	s2 =	sld [smem:$0x3FD0];
	(tm) =	ssettm $0x1  }
0x91: {  	s18 =	sld [smem:$0x3FFB];
	_ =	sdelay $0x3  }
0x92: {  	_ =	strace s18  }
0x93: {  	s3 =	sld [smem:$0x3FFC];
	_ =	sdelay $0x3  }
0x94: {  	_ =	strace s3  }
0x95: {  	s3 =	sld [smem:$0x3FFD];
	_ =	sdelay $0x3  }
0x96: {  	_ =	strace s3  }
0x97: {  	_ =	strace $0x8FFFFFFF  }
0x98: {  	s19 =	sld [smem:$0x3FDB];
	_ =	sdelay $0x1  }
0x99: {  	s4 =	simm.s32 $_scs_section_size  }
0x9a: {  	s5 =	simm.s32 $_size__tile_overlayer_lowered;
	s6 =	simm.s32 $_tile_overlayer_lowered  }
0x9b: {  	s22 =	simm.s32 $0x1BFF;
	s21 =	sshll.u32 s6, $0x1;
	s3 =	sadd.s32 s4, s19  }
0x9c: {  	s7 =	simm.s32 $0x0;
	s20 =	sshll.u32 s5, $0x1;
	s5 =	sadd.s32 s21, s3  }
0x9d: {  	[timem:s7], [sflag:s22] =	dma.local [hbm:s5], s20  }
0x9e: {  	_ =	swait.ge [sflag:s22], s20  }
0x9f: {  	s4 =	ssub.s32 $0x0, s20;
	[sflag:s22] =	ssyncset.done $0x0  }
0xa0: {  	[sflag:s22] =	ssyncadd.s32 s4;
	_ =	sdelay $0x1  }
0xa1: {  	s23 =	simm.s32 $0x1B8B  }
0xa2: {  	_ =	swait.ge [sflag:s23], $0x1  }
0xa3: {  	[sflag:s23] =	ssyncset.done $0x0  }
0xa4: {  	s25 =	simm.s32 $0x1B8E;
	s24 =	sld [smem:$0x3FFE];
	[sflag:s23] =	ssyncadd.s32 $0xFFFFFFFF  }
0xa5: {  	s26 =	simm.s32 $execute0_lowered;
	[smem:$0x3FD2] =	sst s25  }
0xa6: {  	s5 =	sshll.u32 s26, $0x1;
	_ =	strace $0x8000004C;
	[dreg:$0x1] =	wrdreg $0xFFFFFFFF  }
0xa7: {  	s28 =	simm.s32 $_size_execute0_lowered;
	s3 =	sadd.s32 s3, s5;
	[dreg:$0x0] =	wrdreg $0x0  }
0xa8: {  	s5 =	sshll.u32 s28, $0x1;
	[dreg:$0x2] =	wrdreg s3  }
0xa9: {  	[dreg:$0x3] =	wrdreg s5  }
0xaa: {  	[dreg:$0x4] =	wrdreg $0xC0  }
0xab: {  	_ =	task [dreg:s7], $0x5FFFF  }
0xac: {  	[dreg:$0x1] =	wrdreg $0xFFFFFFFF  }
0xad: {  	[dreg:$0x0] =	wrdreg $0x60  }
0xae: {  	[dreg:$0x2] =	wrdreg s2  }
0xaf: {  	[dreg:$0x3] =	wrdreg s24  }
0xb0: {  	[dreg:$0x4] =	wrdreg $0xA8000  }
0xb1: {  	[dreg:$0x5] =	wrdreg $0x9  }
0xb2: {  	_ =	task.clear_ibuf [dreg:s7], $0x6FFFF;
	_ =	strace $0x9000004C  }
0xb3: {  	s29 =	simm.s32 $0x9;
	_ =	strace $0x8000004E  }
0xb4: {  	_ =	swait.ge [sflag:s29], $0x1  }
0xb5: {  	[sflag:s29] =	ssyncadd.s32 $0xFFFFFFFF  }
0xb6: {  	_ =	strace $0x9000004E  }
0xb7: {  	_ =	sfence  }
0xb8: {  	s30 =	sld [smem:$0x0];
	_ =	sdelay $0x2  }
0xb9: {  	s31 =	sshll.u32 s1, $0xD;
	s1 =	sshrl.u32 s1, $0x2  }
0xba: {  	s3 =	sand.u32 $0x4000, s31;
	s1 =	sadd.s32 s1, s30  }
0xbb: {  	s0 =	sor.u32 s3, s0;
	s1 =	sshll.u32 s1, $0x11  }
0xbc: {  	s0 =	sor.u32 s1, s0  }
0xbd: {  	s0 =	sadd.s32 $0x8F2B, s0  }
0xbe: {  	[sflag:s0] =	ssyncadd.remote.s32 $0x1  }
0xbf: {  	_ =	sfence.sel $0xFFFF  }
0xc0: {  	[dreg:$0x0] =	wrdreg $0xFFFFFFFF;
	(pc) =	sbr.abs _section_cstart, $3  }
0xc1: {  	[dreg:$0x1] =	wrdreg $0xFFFFFFFF  }
0xc2: {  	_ =	task.clear_ibuf [dreg:s7], $0x2FFFF;
	_ =	strace $0x9FFFFFFF  }
0xc3: {  	(tm) =	ssettm $0x7FFFFFFF  }
tec
execute0_lowered:
.L_overlay_start_1:
0x0: {  	(tag) =	ssettag $0x1  }
0x1: {  	s1 =	rddreg [dreg:$0x0]  }
0x2: {  	s5 =	rddreg [dreg:$0x1]  }
0x3: {  	s0 =	srdreg.scid;
	s3 =	rddreg [dreg:$0x2]  }
0x4: {  	s2 =	rddreg [dreg:$0x3];
	s4 =	simm.s32 $0x0;
	s12 =	simm.s32 $0x80  }
0x5: {  	s13 =	simm.s32 $0x2800;
	s14 =	simm.s32 $0x6800;
	s6 =	sand.u32 $0x1, s0  }
0x6: {  	s17 =	simm.s32 $0x1;
	s0 =	stileid.u32;
	s7 =	smul.u32 $0x14000, s6  }
0x7: {  	s18 =	simm.s32 $0x2;
	s19 =	simm.s32 $0x2700;
	s8 =	smul.u32 $0x1400, s0  }
0x8: {  	s20 =	simm.s32 $0x2780;
	[smem:$0x7FF] =	sst s4;
	s9 =	smul.u32 $0x13C00, s0  }
0x9: {  	s21 =	simm.s32 $0x0;
	s29 =	smul.u32 $0x13C000, s6;
	_ =	strace $0x8000004D  }
0xa: {  	s6 =	ssub.s32 $0x2, s6;
	s30 =	smul.u32 $0x4F000, s0;
	s15 =	sshll.u32 s0, $0x6  }
0xb: {  	s31 =	sshrl.u32 s6, $0x1;
	s15 =	sor.u32 $0x1C03, s15;
	s7 =	sadd.s32 s8, s7  }
0xc: {  	s10 =	sshrl.u32 s9, $0x3;
	s8 =	sadd.s32 s9, s29;
	s11 =	ssub.s32 s6, s31  }
0xd: {  	s9 =	sshrl.u32 s30, $0x2;
	s7 =	sshrl.u32 s7, $0x3;
	s8 =	sshrl.u32 s8, $0x3  }
0xe: {  	s10 =	sadd.s32 s10, s5;
	s16 =	sadd.s32 s9, s3;
	s9 =	smax.u32 s11, $0x1  }
0xf: {  	s11 =	simm.s32 $0x1400;
	s7 =	sadd.s32 s7, s5;
	s8 =	sadd.s32 s8, s5  }
0x10: {  	s16 =	sshrl.u32 s16, $0x3;
	s5 =	sadd.s32 $0xD5200, s7;
	s6 =	sadd.s32 $0xD0200, s7  }
0x11: {  	s7 =	sadd.s32 $0x59A00, s10;
	s8 =	sadd.s32 $0x81200, s8;
	s10 =	simm.s32 $0x3  }
.LBB2_1:
0x12: {  	[tilespmem:s4], [sflag:$0x3] =	stream.linear.gather [hbm4b:s5+s4], $0x1400, $0x38;
	[tilespmem:$0x1E400] =	vst v63  }
0x13: {  	_ =	swait.ge [sflag:s10], $0x1400  }
0x14: {  	[sflag:s10] =	ssyncset.done $0x0  }
0x15: {  	[sflag:s10] =	ssyncadd.s32 $0xFFFFEC00  }
0x16: {  	[tilespmem:s11], [sflag:$0x3] =	stream.linear.gather [hbm4b:s6+s4], $0x1400, $0x38;
	[tilespmem:$0x1E400] =	vst v63  }
0x17: {  	_ =	swait.ge [sflag:s10], $0x1400  }
0x18: {  	[sflag:s10] =	ssyncset.done $0x0  }
0x19: {  	[sflag:s10] =	ssyncadd.s32 $0xFFFFEC00  }
0x1a: {  	[tilespmem:s13], [sflag:$0x1] =	stream.indirect.gather [hbm4b:s1+s12], $0x80, s4, s12, $0xb8;
	[tilespmem:$0x1E400] =	vst v63  }
0x1b: {  	_ = 	snop  }
0x1c: {  	[tilespmem:s14], [sflag:$0x2] =	stream.indirect.gather [hbm4b:s1+s12], $0x80, s12, s12, $0xb8;
	[tilespmem:$0x1E400] =	vst v63  }
0x1d: {  	[spmem:s16], [sflag:s15] =	dma.local [hbm:s7], $0x2780  }
0x1e: {  	_ =	swait.ge [sflag:s10], $0x2780  }
0x1f: {  	[sflag:s10] =	ssyncset.done $0x0  }
0x20: {  	[sflag:s10] =	ssyncadd.s32 $0xFFFFD880  }
0x21: {  	[bflag:$0x0] =	sbarrier.arrive $0xFFFF  }
0x22: {  	_ =	swait.ge [sflag:s17], $0x4000  }
0x23: {  	[sflag:s17] =	ssyncset.done $0x0  }
0x24: {  	s22 =	simm.s32 $0x1400;
	[sflag:s17] =	ssyncadd.s32 $0xFFFFC000  }
0x25: {  	[spmem:s3] =	stream.indirect.scatter.add.f32 [tilespmem:s13], [sflag:$0x3], $0x80, s22, s12, $0xb8;
	[tilespmem:$0x1E400] =	vst v63  }
0x26: {  	_ =	swait.ge [sflag:s10], $0x4000  }
0x27: {  	[sflag:s10] =	ssyncset.done $0x0  }
0x28: {  	s30 =	simm.s32 $0x100;
	[sflag:s10] =	ssyncadd.s32 $0xFFFFC000  }
0x29: {  	[tilespmem:s13], [sflag:$0x1] =	stream.indirect.gather [hbm4b:s1+s12], $0x80, s30, s12, $0xb8;
	[tilespmem:$0x1E400] =	vst v63  }
0x2a: {  	_ =	swait.ge [sflag:s18], $0x4000  }
0x2b: {  	[sflag:s18] =	ssyncset.done $0x0  }
0x2c: {  	s31 =	simm.s32 $0x1480;
	[sflag:s18] =	ssyncadd.s32 $0xFFFFC000  }
0x2d: {  	[spmem:s3] =	stream.indirect.scatter.add.f32 [tilespmem:s14], [sflag:$0x3], $0x80, s31, s12, $0xb8;
	[tilespmem:$0x1E400] =	vst v63  }
0x2e: {  	_ =	swait.ge [sflag:s10], $0x4000  }
0x2f: {  	[sflag:s10] =	ssyncset.done $0x0  }
0x30: {  	s23 =	simm.s32 $0x180;
	s22 =	simm.s32 $0x400;
	[sflag:s10] =	ssyncadd.s32 $0xFFFFC000  }
.LBB2_2:
0x31: {  	[tilespmem:s14], [sflag:$0x2] =	stream.indirect.gather [hbm4b:s1+s12], $0x80, s23, s12, $0xb8;
	[tilespmem:$0x1E400] =	vst v63  }
0x32: {  	s23 =	smov.u32 s22  }
0x33: {  	p0 =	sne.s32 s22, $0x4800;
	s22 =	sadd.s32 $0x400, s22;
	_ =	swait.ge [sflag:s17], $0x4000  }
0x34: {  	s23 =	sshra.s32 s23, $0x2;
	[sflag:s17] =	ssyncset.done $0x0  }
0x35: {  	s24 =	sadd.s32 $0x1400, s23;
	[sflag:s17] =	ssyncadd.s32 $0xFFFFC000  }
0x36: {  	[spmem:s3] =	stream.indirect.scatter.add.f32 [tilespmem:s13], [sflag:$0x3], $0x80, s24, s12, $0xb8;
	[tilespmem:$0x1E400] =	vst v63  }
0x37: {  	_ =	swait.ge [sflag:s10], $0x4000  }
0x38: {  	[sflag:s10] =	ssyncset.done $0x0  }
0x39: {  	s24 =	sadd.s32 $0x100, s23;
	[sflag:s10] =	ssyncadd.s32 $0xFFFFC000  }
0x3a: {  	[tilespmem:s13], [sflag:$0x1] =	stream.indirect.gather [hbm4b:s1+s12], $0x80, s24, s12, $0xb8;
	[tilespmem:$0x1E400] =	vst v63  }
0x3b: {  	_ =	swait.ge [sflag:s18], $0x4000  }
0x3c: {  	[sflag:s18] =	ssyncset.done $0x0  }
.Ltmp0:
0x3d: {  	s24 =	sadd.s32 $0x1480, s23;
	[sflag:s18] =	ssyncadd.s32 $0xFFFFC000;
	(pc) =	sbr.rel @p0 .LBB2_2-.Ltmp0, $4  }
0x3e: {  	[spmem:s3] =	stream.indirect.scatter.add.f32 [tilespmem:s14], [sflag:$0x3], $0x80, s24, s12, $0xb8;
	[tilespmem:$0x1E400] =	vst v63  }
0x3f: {  	_ =	swait.ge [sflag:s10], $0x4000  }
0x40: {  	[sflag:s10] =	ssyncset.done $0x0  }
0x41: {  	s23 =	sadd.s32 $0x180, s23;
	[sflag:s10] =	ssyncadd.s32 $0xFFFFC000  }
0x42: {  	[tilespmem:s14], [sflag:$0x2] =	stream.indirect.gather [hbm4b:s1+s12], $0x80, s23, s12, $0xb8;
	[tilespmem:$0x1E400] =	vst v63  }
0x43: {  	_ =	swait.ge [sflag:s17], $0x4000  }
0x44: {  	[sflag:s17] =	ssyncset.done $0x0  }
0x45: {  	[sflag:s17] =	ssyncadd.s32 $0xFFFFC000  }
0x46: {  	[spmem:s3] =	stream.indirect.scatter.add.f32 [tilespmem:s13], [sflag:$0x3], $0x80, s19, s12, $0xb8;
	[tilespmem:$0x1E400] =	vst v63  }
0x47: {  	_ =	swait.ge [sflag:s10], $0x4000  }
0x48: {  	[sflag:s10] =	ssyncset.done $0x0  }
0x49: {  	[sflag:s10] =	ssyncadd.s32 $0xFFFFC000  }
0x4a: {  	_ =	swait.ge [sflag:s18], $0x4000  }
0x4b: {  	[sflag:s18] =	ssyncset.done $0x0  }
0x4c: {  	[sflag:s18] =	ssyncadd.s32 $0xFFFFC000  }
0x4d: {  	[spmem:s3] =	stream.indirect.scatter.add.f32 [tilespmem:s14], [sflag:$0x3], $0x80, s20, s12, $0xb8;
	[tilespmem:$0x1E400] =	vst v63  }
0x4e: {  	_ =	swait.ge [sflag:s10], $0x4000  }
0x4f: {  	s21 =	sadd.s32 $0x1, s21;
	[sflag:s10] =	ssyncset.done $0x0  }
0x50: {  	p0 =	sne.s32 s21, s9;
	[sflag:s10] =	ssyncadd.s32 $0xFFFFC000  }
.Ltmp1:
0x51: {  	[bflag:$0x0] =	sbarrier.arrive $0xFFFF;
	(pc) =	sbr.rel @p0 .LBB2_1-.Ltmp1, $4  }
0x52: {  	[hbm:s8], [sflag:s15] =	dma.local [spmem:s16], $0x2780  }
0x53: {  	_ =	swait.ge [sflag:s10], $0x2780  }
0x54: {  	[sflag:s10] =	ssyncset.done $0x0  }
0x55: {  	[sflag:s10] =	ssyncadd.s32 $0xFFFFD880  }
0x56: {  	_ =	sfence.sel $0x180000  }
0x57: {  	[bflag:$0x0] =	sbarrier.arrive $0xFFFF  }
0x58: {  	p0 =	sne.s32 s0, $0x0;
	_ =	strace $0x9000004D  }
0x59: {  	s0 =	sadd.s32 @!p0 $0x100000, s2;
	[bflag:$0x2] =	sbarrier.arrive $0xFFFF  }
0x5a: {  	[sflag:s0] =	ssyncadd.tile.s32 @!p0 $0x1;
	_ =	shalt  }
.Lfunc_end2:
_tile_overlayer_lowered:
.L_overlay_start_2:
0x5b: {  	(tag) =	ssettag $0x2  }
0x5c: {  	s0 =	rddreg [dreg:$0x0];
	s2 =	stileid.u32  }
0x5d: {  	s1 =	rddreg [dreg:$0x1];
	p0 =	sne.s32 s2, $0x0  }
0x5e: {  	s3 =	rddreg [dreg:$0x2];
	[bflag:$0x3] =	sbarrier.arrive $0xFFFF;
	s2 =	simm.s32 @!p0 $0x1C03  }
0x5f: {  	[timem:s3], [sflag:s2] =	dma.local @!p0 [hbm:s0], s1  }
0x60: {  	s0 =	simm.s32 @!p0 $0x3  }
0x61: {  	_ =	swait.ge @!p0 [sflag:s0], s1  }
0x62: {  	s1 =	ssub.s32 @!p0 $0x0, s1;
	[sflag:s0] =	ssyncset.done @!p0 $0x0  }
0x63: {  	[sflag:s0] =	ssyncadd.s32 @!p0 s1  }
0x64: {  	[bflag:$0x3] =	sbarrier.arrive $0xFFFF  }
0x65: {  	_ =	shalt  }

// kernel: kernel.8.cloned.1.call-start
scs
__scs_entry_jumppad:
0x0: {  	(pc) =	sbr.rel $0x88, $3  }
0x1: {  	(tag) =	ssettag $0x0;
	lr =	simm.s32 $0x1  }
0x2: {  	[smem:$0x3F99] =	sst lr;
	_ =	strace $0xD0000000  }
0x3: {  	_ = 	snop  }
0x4: {  	_ = 	snop  }
0x5: {  	_ = 	snop  }
0x6: {  	_ = 	snop  }
0x7: {  	_ = 	snop  }
__scs_overlays_trampoline_lowered:
0x8: {  	[smem:$0x3FA8] =	sst s0  }
0x9: {  	[smem:$0x3FA9] =	sst s1  }
0xa: {  	[smem:$0x3FAA] =	sst s2  }
0xb: {  	[smem:$0x3FAB] =	sst s3  }
0xc: {  	[smem:$0x3FAC] =	sst s4  }
0xd: {  	[smem:$0x3FAD] =	sst s5  }
0xe: {  	[smem:$0x3FAE] =	sst s6  }
0xf: {  	[smem:$0x3FAF] =	sst s7  }
0x10: {  	[smem:$0x3FB0] =	sst s8  }
0x11: {  	[smem:$0x3FB1] =	sst s9;
	s0 =	simm.s32 @!p0 $0x0  }
0x12: {  	s1 =	sld [smem:$0x3F97];
	s0 =	simm.s32 @p0 $0x1  }
0x13: {  	[smem:$0x3FB2] =	sst s0;
	s0 =	simm.s32 @!p1 $0x0  }
0x14: {  	s2 =	sld [smem:$0x3F96];
	s0 =	simm.s32 @p1 $0x1  }
0x15: {  	[smem:$0x3FB3] =	sst s0;
	s0 =	simm.s32 @!p2 $0x0  }
0x16: {  	s3 =	sld [smem:$0x3FDB];
	s0 =	simm.s32 @p2 $0x1  }
0x17: {  	s4 =	simm.s32 $0x1BF5;
	[smem:$0x3FB5] =	sst s0  }
0x18: {  	s0 =	sld [smem:$0x3F98];
	_ =	swait.ge [sflag:s4], $0x0  }
0x19: {  	s7 =	sld [smem:$0x3F99]  }
0x1a: {  	s8 =	sadd.s32 $0xFFFFE003, lr  }
0x1b: {  	s9 =	sadd.s32 $0xFFFFFEF7, lr;
	s5 =	simm.s32 $0xFFFFFFFF;
	p2 =	slt.u32 s8, $0xFFFFF086  }
0x1c: {  	p1 =	slt.u32 s9, $0xF7A;
	s5 =	simm.s32 @!p2 $0x0  }
0x1d: {  	s5 =	simm.s32 @p1 $0x1;
	p0 =	seq.s32 s7, s2  }
0x1e: {  	s7 =	smul.u32 @!p0 $0xF7A, s2;
	p2 =	seq.s32 @!p0 s5, $0x0  }
0x1f: {  	s9 =	smul.u32 $0xF7A, s1;
	s8 =	simm.s32 @!p0 $0x1BF5;
	p2 =	por !p2, p0  }
0x20: {  	[sflag:s8] =	ssyncset.s32 @!p0 $0xFFFFF086;
	s6 =	sadd.s32 @!p0 s3, s7;
	s7 =	simm.s32 @!p0 $0x108  }
0x21: {  	s3 =	sadd.s32 s3, s9;
	s6 =	sadd.s32 @!p0 $0x88, s6;
	s7 =	simm.s32 @p2 $0x1082  }
0x22: {  	[simem:s7], [sflag:s8] =	dma.local @!p0 [hbm:s6], $0xF7A  }
0x23: {  	s9 =	sor.u32 $0xD0000000, s2;
	s6 =	simm.s32 $0x108;
	_ =	swait.ge @!p0 [sflag:s8], $0x0  }
0x24: {  	s3 =	sadd.s32 $0x88, s3;
	s6 =	simm.s32 @!p1 $0x1082;
	[sflag:s4] =	ssyncset.s32 $0xFFFFF086  }
0x25: {  	[simem:s6], [sflag:s4] =	dma.local [hbm:s3], $0xF7A  }
0x26: {  	[smem:$0x3F99] =	sst s1;
	(tag) =	ssettag s2;
	_ =	strace s9  }
0x27: {  	s1 =	sld [smem:$0x3FA9]  }
0x28: {  	s2 =	sld [smem:$0x3FAA]  }
0x29: {  	s4 =	sld [smem:$0x3FAC]  }
0x2a: {  	p0 =	seq.s32 s5, $0x0;
	s5 =	sld [smem:$0x3FAD]  }
0x2b: {  	s6 =	sld [smem:$0x3FAE]  }
0x2c: {  	s7 =	sld [smem:$0x3FAF]  }
0x2d: {  	s3 =	simm.s32 $0x108;
	s8 =	sld [smem:$0x3FB0]  }
0x2e: {  	s3 =	simm.s32 @!p0 $0x1082;
	s9 =	sld [smem:$0x3FB1]  }
0x2f: {  	lr =	sadd.s32 s0, s3;
	s0 =	sld [smem:$0x3FA8]  }
0x30: {  	s3 =	sld [smem:$0x3FAB]  }
0x31: {  	[smem:$0x3FB4] =	sst s10  }
0x32: {  	s10 =	sld [smem:$0x3FB2];
	_ =	sdelay $0x3  }
0x33: {  	p0 =	seq.s32 s10, $0x1;
	s10 =	sld [smem:$0x3FB4];
	_ =	sdelay $0x3  }
0x34: {  	[smem:$0x3FB4] =	sst s10  }
0x35: {  	s10 =	sld [smem:$0x3FB3];
	_ =	sdelay $0x3  }
0x36: {  	p1 =	seq.s32 s10, $0x1;
	s10 =	sld [smem:$0x3FB4];
	_ =	sdelay $0x3  }
0x37: {  	[smem:$0x3FB4] =	sst s10  }
0x38: {  	s10 =	sld [smem:$0x3FB5]  }
0x39: {  	_ = 	snop;
	(pc) =	sbr.ind lr, $3  }
0x3a: {  	_ = 	snop  }
0x3b: {  	_ = 	snop  }
0x3c: {  	p2 =	seq.s32 s10, $0x1;
	s10 =	sld [smem:$0x3FB4]  }
0x3d: {  	_ =	shalt  }
0x3e: {  	_ =	shalt  }
0x3f: {  	_ =	shalt  }
0x40: {  	_ =	shalt  }
0x41: {  	_ =	shalt  }
0x42: {  	_ =	shalt  }
0x43: {  	_ =	shalt  }
0x44: {  	_ =	shalt  }
0x45: {  	_ =	shalt  }
0x46: {  	_ =	shalt  }
0x47: {  	_ =	shalt  }
0x48: {  	_ =	shalt  }
0x49: {  	_ =	shalt  }
0x4a: {  	_ =	shalt  }
0x4b: {  	_ =	shalt  }
0x4c: {  	_ =	shalt  }
0x4d: {  	_ =	shalt  }
0x4e: {  	_ =	shalt  }
0x4f: {  	_ =	shalt  }
0x50: {  	_ =	shalt  }
0x51: {  	_ =	shalt  }
0x52: {  	_ =	shalt  }
0x53: {  	_ =	shalt  }
0x54: {  	_ =	shalt  }
0x55: {  	_ =	shalt  }
0x56: {  	_ =	shalt  }
0x57: {  	_ =	shalt  }
0x58: {  	_ =	shalt  }
0x59: {  	_ =	shalt  }
0x5a: {  	_ =	shalt  }
0x5b: {  	_ =	shalt  }
0x5c: {  	_ =	shalt  }
0x5d: {  	_ =	shalt  }
0x5e: {  	_ =	shalt  }
0x5f: {  	_ =	shalt  }
0x60: {  	_ =	shalt  }
0x61: {  	_ =	shalt  }
0x62: {  	_ =	shalt  }
0x63: {  	_ =	shalt  }
0x64: {  	_ =	shalt  }
0x65: {  	_ =	shalt  }
0x66: {  	_ =	shalt  }
0x67: {  	_ =	shalt  }
0x68: {  	_ =	shalt  }
0x69: {  	_ =	shalt  }
0x6a: {  	_ =	shalt  }
0x6b: {  	_ =	shalt  }
0x6c: {  	_ =	shalt  }
0x6d: {  	_ =	shalt  }
0x6e: {  	_ =	shalt  }
0x6f: {  	_ =	shalt  }
0x70: {  	_ =	shalt  }
0x71: {  	_ =	shalt  }
0x72: {  	_ =	shalt  }
0x73: {  	_ =	shalt  }
0x74: {  	_ =	shalt  }
0x75: {  	_ =	shalt  }
0x76: {  	_ =	shalt  }
0x77: {  	_ =	shalt  }
0x78: {  	_ =	shalt  }
0x79: {  	_ =	shalt  }
0x7a: {  	_ =	shalt  }
0x7b: {  	_ =	shalt  }
0x7c: {  	_ =	shalt  }
0x7d: {  	_ =	shalt  }
0x7e: {  	_ =	shalt  }
0x7f: {  	_ =	shalt  }
0x80: {  	_ =	shalt  }
0x81: {  	_ =	shalt  }
0x82: {  	_ =	shalt  }
0x83: {  	_ =	shalt  }
0x84: {  	_ =	shalt  }
0x85: {  	_ =	shalt  }
0x86: {  	_ =	shalt  }
0x87: {  	_ =	shalt  }
.Lfunc_end0:
.L_simem_size_0:
called_computation_lowered:
.L_overlay_start_0:
0x88: {  	s2 =	sld [smem:$0x3FD9]  }
0x89: {  	s3 =	sld [smem:$0x3FFE];
	_ =	sdelay $0x1  }
0x8a: {  	s1 =	srdreg.scid  }
0x8b: {  	s0 =	sand.u32 $0x1, s1  }
0x8c: {  	s17 =	sshll.u32 s0, $0xA;
	s2 =	sadd.s32 s3, s2  }
0x8d: {  	s2 =	sadd.s32 s2, s17  }
0x8e: {  	[smem:$0x3FC0] =	sst s2  }
0x8f: {  	_ = 	snop  }
0x90: {  	(tm) =	ssettm $0x1  }
0x91: {  	s18 =	sld [smem:$0x3FFB];
	_ =	sdelay $0x3  }
0x92: {  	_ =	strace s18  }
0x93: {  	s2 =	sld [smem:$0x3FFC];
	_ =	sdelay $0x3  }
0x94: {  	_ =	strace s2  }
0x95: {  	s2 =	sld [smem:$0x3FFD];
	_ =	sdelay $0x3  }
0x96: {  	_ =	strace s2  }
0x97: {  	_ =	strace $0x8FFFFFFF  }
0x98: {  	s19 =	sld [smem:$0x3FDB];
	_ =	sdelay $0x1  }
0x99: {  	s20 =	simm.s32 $_scs_section_size  }
0x9a: {  	s4 =	simm.s32 $_size__tile_overlayer_lowered;
	s5 =	simm.s32 $_tile_overlayer_lowered  }
0x9b: {  	s6 =	simm.s32 $0x1BFF;
	s21 =	sshll.u32 s5, $0x1;
	s3 =	sadd.s32 s20, s19  }
0x9c: {  	s22 =	simm.s32 $0x0;
	s4 =	sshll.u32 s4, $0x1;
	s5 =	sadd.s32 s21, s3  }
0x9d: {  	[timem:s22], [sflag:s6] =	dma.local [hbm:s5], s4  }
0x9e: {  	_ =	swait.ge [sflag:s6], s4  }
0x9f: {  	s4 =	ssub.s32 $0x0, s4;
	[sflag:s6] =	ssyncset.done $0x0  }
0xa0: {  	[sflag:s6] =	ssyncadd.s32 s4;
	_ =	sdelay $0x1  }
0xa1: {  	s23 =	simm.s32 $0x1B8B  }
0xa2: {  	_ =	swait.ge [sflag:s23], $0x1  }
0xa3: {  	[sflag:s23] =	ssyncset.done $0x0  }
0xa4: {  	[sflag:s23] =	ssyncadd.s32 $0xFFFFFFFF  }
0xa5: {  	s4 =	sld [smem:$0x0]  }
0xa6: {  	s5 =	sand.u32 $0xFFFFFFFE, s1  }
0xa7: {  	p0 =	sne.s32 s1, s5  }
0xa8: {  	s5 =	sshll.u32 @p0 s5, $0xE  }
0xa9: {  	s5 =	sadd.s32 @p0 $0x11B8D, s5;
	s6 =	sshll.u32 @p0 s4, $0x11  }
0xaa: {  	s5 =	sor.u32 @p0 s6, s5  }
0xab: {  	[sflag:s5] =	ssyncadd.remote.s32 @p0 $0x1;
	_ =	sdelay $0x1  }
0xac: {  	s5 =	simm.s32 @p0 $0x1B8D  }
0xad: {  	_ =	swait.eq @p0 [sflag:s5], $0x1  }
0xae: {  	[sflag:s5] =	ssyncadd.s32 @p0 $0xFFFFFFFF  }
0xaf: {  	s6 =	sshll.u32 @!p0 s1, $0xE  }
0xb0: {  	s6 =	sor.u32 @!p0 $0x4000, s6;
	s5 =	simm.s32 @!p0 $0x1B8D  }
0xb1: {  	s4 =	sshll.u32 @!p0 s4, $0x11;
	s6 =	sadd.s32 @!p0 $0x11B8D, s6;
	_ =	swait.eq @!p0 [sflag:s5], $0x1  }
0xb2: {  	s4 =	sor.u32 @!p0 s4, s6;
	[sflag:s5] =	ssyncadd.s32 @!p0 $0xFFFFFFFF  }
0xb3: {  	s25 =	simm.s32 $0x1B8E;
	s24 =	sld [smem:$0x3FFE];
	[sflag:s4] =	ssyncadd.remote.s32 @!p0 $0x1  }
0xb4: {  	s26 =	simm.s32 $execute0_lowered;
	[smem:$0x3FD2] =	sst s25  }
0xb5: {  	s5 =	sshll.u32 s26, $0x1;
	_ =	strace $0x80000049;
	[dreg:$0x1] =	wrdreg $0xFFFFFFFF  }
0xb6: {  	s28 =	simm.s32 $_size_execute0_lowered;
	s3 =	sadd.s32 s3, s5;
	[dreg:$0x0] =	wrdreg $0x0  }
0xb7: {  	s5 =	sshll.u32 s28, $0x1;
	[dreg:$0x2] =	wrdreg s3  }
0xb8: {  	[dreg:$0x3] =	wrdreg s5  }
0xb9: {  	[dreg:$0x4] =	wrdreg $0xC0  }
0xba: {  	_ =	task [dreg:s22], $0x5FFFF  }
0xbb: {  	[dreg:$0x1] =	wrdreg $0xFFFFFFFF  }
0xbc: {  	[dreg:$0x0] =	wrdreg $0x60  }
0xbd: {  	[dreg:$0x2] =	wrdreg s24  }
0xbe: {  	[dreg:$0x3] =	wrdreg $0x54000  }
0xbf: {  	[dreg:$0x4] =	wrdreg $0x9  }
0xc0: {  	_ =	task.clear_ibuf [dreg:s22], $0x5FFFF;
	_ =	strace $0x90000049  }
0xc1: {  	s29 =	simm.s32 $0x9;
	_ =	strace $0x8000004B  }
0xc2: {  	_ =	swait.ge [sflag:s29], $0x1  }
0xc3: {  	[sflag:s29] =	ssyncadd.s32 $0xFFFFFFFF  }
0xc4: {  	_ =	strace $0x9000004B  }
0xc5: {  	_ =	sfence  }
0xc6: {  	s30 =	sld [smem:$0x0];
	_ =	sdelay $0x2  }
0xc7: {  	s31 =	sshll.u32 s1, $0xD;
	s1 =	sshrl.u32 s1, $0x2  }
0xc8: {  	s4 =	sand.u32 $0x4000, s31;
	s1 =	sadd.s32 s1, s30  }
0xc9: {  	s0 =	sor.u32 s4, s0;
	s1 =	sshll.u32 s1, $0x11  }
0xca: {  	s0 =	sor.u32 s1, s0  }
0xcb: {  	s0 =	sadd.s32 $0x8F2B, s0  }
0xcc: {  	[sflag:s0] =	ssyncadd.remote.s32 $0x1  }
0xcd: {  	_ =	sfence.sel $0xFFFF  }
0xce: {  	[dreg:$0x0] =	wrdreg $0xFFFFFFFF;
	(pc) =	sbr.abs _section_cstart, $3  }
0xcf: {  	[dreg:$0x1] =	wrdreg $0xFFFFFFFF  }
0xd0: {  	_ =	task.clear_ibuf [dreg:s22], $0x2FFFF;
	_ =	strace $0x9FFFFFFF  }
0xd1: {  	(tm) =	ssettm $0x7FFFFFFF  }
tec
execute0_lowered:
.L_overlay_start_1:
0x0: {  	(tag) =	ssettag $0x1  }
0x1: {  	s0 =	srdreg.scid;
	s5 =	rddreg [dreg:$0x0]  }
0x2: {  	s2 =	rddreg [dreg:$0x1];
	s4 =	sand.u32 $0x1, s0  }
0x3: {  	s0 =	stileid.u32;
	s6 =	smul.u32 $0x14000, s4  }
0x4: {  	s1 =	rddreg [dreg:$0x2];
	s3 =	simm.s32 $0x0;
	s7 =	smul.u32 $0x1400, s0  }
0x5: {  	s13 =	simm.s32 $0x80;
	[smem:$0x7FF] =	sst s3;
	s8 =	smul.u32 $0x13C00, s0  }
0x6: {  	s14 =	simm.s32 $0x0;
	s9 =	smul.u32 $0x13C000, s4;
	_ =	strace $0x8000004A  }
0x7: {  	s30 =	ssub.s32 $0x2, s4;
	s10 =	smul.u32 $0x4F000, s0;
	s4 =	sadd.s32 $0xDA200, s5  }
0x8: {  	s31 =	sshll.u32 s0, $0x6;
	s11 =	sshrl.u32 s30, $0x1;
	s6 =	sadd.s32 s7, s6  }
0x9: {  	s29 =	sshrl.u32 s8, $0x3;
	s8 =	sadd.s32 s8, s9;
	s9 =	ssub.s32 s30, s11  }
0xa: {  	s10 =	sshrl.u32 s10, $0x2;
	s11 =	sor.u32 $0x1C01, s31;
	s6 =	sshrl.u32 s6, $0x3  }
0xb: {  	s7 =	sadd.s32 s29, s5;
	s8 =	sshrl.u32 s8, $0x3;
	s12 =	sadd.s32 s10, s2  }
0xc: {  	s10 =	simm.s32 $0x1400;
	s6 =	sadd.s32 s6, s5;
	s8 =	sadd.s32 s8, s5  }
0xd: {  	s12 =	sshrl.u32 s12, $0x3;
	s5 =	sadd.s32 $0xD0200, s6;
	s6 =	sadd.s32 $0x59A00, s7  }
0xe: {  	s7 =	sadd.s32 $0xDAA00, s8;
	s8 =	smax.u32 s9, $0x1;
	s9 =	simm.s32 $0x1  }
.LBB2_1:
0xf: {  	[tilespmem:s3], [sflag:$0x1] =	stream.linear.gather [hbm4b:s5+s3], $0x1400, $0x38;
	[tilespmem:$0x19000] =	vst v63  }
0x10: {  	_ =	swait.ge [sflag:s9], $0x1400  }
0x11: {  	[sflag:s9] =	ssyncset.done $0x0  }
0x12: {  	[sflag:s9] =	ssyncadd.s32 $0xFFFFEC00  }
0x13: {  	[tilespmem:s10], [sflag:$0x1] =	stream.linear.gather [hbm4b:s4+s3], $0x4000, $0x38;
	[tilespmem:$0x19000] =	vst v63  }
0x14: {  	_ =	swait.ge [sflag:s9], $0x4000  }
0x15: {  	[sflag:s9] =	ssyncset.done $0x0  }
0x16: {  	[sflag:s9] =	ssyncadd.s32 $0xFFFFC000  }
0x17: {  	[spmem:s12], [sflag:s11] =	dma.local [hbm:s6], $0x2780  }
0x18: {  	_ =	swait.ge [sflag:s9], $0x2780  }
0x19: {  	[sflag:s9] =	ssyncset.done $0x0  }
0x1a: {  	[sflag:s9] =	ssyncadd.s32 $0xFFFFD880  }
0x1b: {  	s15 =	simm.s32 $0x0;
	[bflag:$0x0] =	sbarrier.arrive $0xFFFF  }
0x1c: {  	[spmem:s2] =	stream.indirect.scatter.add.f32 [tilespmem:s10], [sflag:$0x1], $0x80, s15, s13, $0xb8;
	[tilespmem:$0x19000] =	vst v63  }
0x1d: {  	_ =	swait.ge [sflag:s9], $0x4000  }
0x1e: {  	s15 =	simm.s32 $0x200;
	[sflag:s9] =	ssyncset.done $0x0  }
.LBB2_2:
0x1f: {  	s16 =	sshra.s32 s15, $0x2;
	[sflag:s9] =	ssyncadd.s32 $0xFFFFC000;
	p0 =	sne.s32 s15, $0x4E00  }
0x20: {  	[spmem:s2] =	stream.indirect.scatter.add.f32 [tilespmem:s10], [sflag:$0x1], $0x80, s16, s13, $0xb8;
	[tilespmem:$0x19000] =	vst v63  }
.Ltmp0:
0x21: {  	_ = 	snop;
	(pc) =	sbr.rel @p0 .LBB2_2-.Ltmp0, $4  }
0x22: {  	_ = 	snop  }
0x23: {  	s15 =	sadd.s32 $0x200, s15  }
0x24: {  	_ =	swait.ge [sflag:s9], $0x4000  }
0x25: {  	[sflag:s9] =	ssyncset.done $0x0  }
0x26: {  	s14 =	sadd.s32 $0x1, s14  }
0x27: {  	[sflag:s9] =	ssyncadd.s32 $0xFFFFC000;
	p0 =	sne.s32 s14, s8  }
.Ltmp1:
0x28: {  	[bflag:$0x0] =	sbarrier.arrive $0xFFFF;
	(pc) =	sbr.rel @p0 .LBB2_1-.Ltmp1, $4  }
0x29: {  	[hbm:s7], [sflag:s11] =	dma.local [spmem:s12], $0x2780  }
0x2a: {  	_ =	swait.ge [sflag:s9], $0x2780  }
0x2b: {  	[sflag:s9] =	ssyncset.done $0x0  }
0x2c: {  	[sflag:s9] =	ssyncadd.s32 $0xFFFFD880  }
0x2d: {  	_ =	sfence.sel $0x180000  }
0x2e: {  	[bflag:$0x0] =	sbarrier.arrive $0xFFFF  }
0x2f: {  	p0 =	sne.s32 s0, $0x0;
	_ =	strace $0x9000004A  }
0x30: {  	s0 =	sadd.s32 @!p0 $0x100000, s1;
	[bflag:$0x2] =	sbarrier.arrive $0xFFFF  }
0x31: {  	[sflag:s0] =	ssyncadd.tile.s32 @!p0 $0x1;
	_ =	shalt  }
.Lfunc_end2:
_tile_overlayer_lowered:
.L_overlay_start_2:
0x32: {  	(tag) =	ssettag $0x2  }
0x33: {  	s0 =	rddreg [dreg:$0x0];
	s2 =	stileid.u32  }
0x34: {  	s1 =	rddreg [dreg:$0x1];
	p0 =	sne.s32 s2, $0x0  }
0x35: {  	s3 =	rddreg [dreg:$0x2];
	[bflag:$0x3] =	sbarrier.arrive $0xFFFF;
	s2 =	simm.s32 @!p0 $0x1C01  }
0x36: {  	[timem:s3], [sflag:s2] =	dma.local @!p0 [hbm:s0], s1  }
0x37: {  	s0 =	simm.s32 @!p0 $0x1  }
0x38: {  	_ =	swait.ge @!p0 [sflag:s0], s1  }
0x39: {  	s1 =	ssub.s32 @!p0 $0x0, s1;
	[sflag:s0] =	ssyncset.done @!p0 $0x0  }
0x3a: {  	[sflag:s0] =	ssyncadd.s32 @!p0 s1  }
0x3b: {  	[bflag:$0x3] =	sbarrier.arrive $0xFFFF  }
0x3c: {  	_ =	shalt  }

</sc_bundles>
